<compile_context>
chip_gen: v7x
topology: tpu7x:2x2x1
jax: 0.10.2.dev20260603
libtpu: 0.0.44.dev20260713+nightly
codegen_flags: <defaults>
</compile_context>

<pallas_src>
import functools

import jax
import jax.numpy as jnp
from jax import lax
from jax.experimental import pallas as pl
from jax.experimental.pallas import tpu as pltpu
from jax.experimental.pallas import tpu_sc as plsc

_B, _T, _N, _F = 32, 12, 1024, 128
_D = 288
_W = 7
_HF = _F // 2
_L = 16
_NC = 256
_NCHUNKS = _T * (_N // _NC)
_DS = 65
_WS = 449
_TN = _T * _N


def _emb_body(xday_hbm, xweek_hbm, dayt_hbm, weekt_hbm, out_hbm,
              xd_v, xw_v, day_v, week_v, ob0, ob1, sem0, sem1):
    b = lax.axis_index("s") * 2 + lax.axis_index("c")

    pltpu.sync_copy(dayt_hbm, day_v)
    pltpu.sync_copy(weekt_hbm, week_v)
    pltpu.sync_copy(xday_hbm.at[pl.ds(b * _TN, _TN)], xd_v)
    pltpu.sync_copy(xweek_hbm.at[pl.ds(b * _TN, _TN)], xw_v)

    lanes = lax.iota(jnp.int32, _L)
    lane_ws = lanes * _WS

    def fill(ob, t, n0):
        base = t * _N + n0

        def fill_g(g, _):
            xdv = xd_v[pl.ds(base + g * _L, _L)]
            xwv = xw_v[pl.ds(base + g * _L, _L)]
            dv0 = (xdv * jnp.float32(_D)).astype(jnp.int32) * _DS
            wv0 = xwv.astype(jnp.int32) * _HF + lane_ws
            col = g * _L
            ch = col // 128
            cl = col % 128

            @plsc.parallel_loop(0, _HF, 1, unroll=8)
            def _fill_f(f):
                fa = lax.shift_right_logical(f, 3)
                fb = lax.rem(f, 8)
                ob[fa, ch, fb, pl.ds(cl, _L)] = plsc.load_gather(
                    day_v, [dv0 + f])
                ob[fa + _HF // 8, ch, fb, pl.ds(cl, _L)] = plsc.load_gather(
                    week_v, [wv0 + f])

            return 0

        lax.fori_loop(0, _NC // _L, fill_g, 0)

    _NT = _NC // 128

    def pair_body(cp, _):
        for half, (ob, sem) in enumerate(((ob0, sem0), (ob1, sem1))):
            ci = cp * 2 + half
            t = lax.div(ci, _N // _NC)
            n0 = lax.rem(ci, _N // _NC) * _NC
            na0 = lax.div(n0, 128)

            @pl.when(cp > 0)
            def _wait_prev():
                pltpu.make_async_copy(
                    ob, out_hbm.at[b, 0, :, pl.ds(0, _NT), :, :], sem).wait()

            fill(ob, t, n0)
            pltpu.async_copy(
                ob, out_hbm.at[b, t, :, pl.ds(na0, _NT), :, :], sem)
        return 0

    lax.fori_loop(0, _NCHUNKS // 2, pair_body, 0)
    pltpu.make_async_copy(
        ob0, out_hbm.at[b, 0, :, pl.ds(0, _NT), :, :], sem0).wait()
    pltpu.make_async_copy(
        ob1, out_hbm.at[b, 0, :, pl.ds(0, _NT), :, :], sem1).wait()


_emb = functools.partial(
    pl.kernel,
    mesh=plsc.VectorSubcoreMesh(core_axis_name="c", subcore_axis_name="s"),
    out_type=jax.ShapeDtypeStruct((_B, _T, _F // 8, _N // 128, 8, 128),
                                  jnp.float32),
    compiler_params=pltpu.CompilerParams(
        use_tc_tiling_on_sc=False, needs_layout_passes=False),
    scratch_types=[
        pltpu.VMEM((_TN,), jnp.float32),
        pltpu.VMEM((_TN,), jnp.float32),
        pltpu.VMEM((_D * _DS,), jnp.float32),
        pltpu.VMEM((_L * _WS,), jnp.float32),
        pltpu.VMEM((_F // 8, _NC // 128, 8, 128), jnp.float32),
        pltpu.VMEM((_F // 8, _NC // 128, 8, 128), jnp.float32),
        pltpu.SemaphoreType.DMA,
        pltpu.SemaphoreType.DMA,
    ],
)(_emb_body)


def kernel(x, time_day_table, time_week_table):
    xday = x[:, :, :, 1].reshape(-1)
    xweek = x[:, :, :, 2].reshape(-1)
    day_pad = jnp.pad(time_day_table, ((0, 0), (0, _DS - _HF))).reshape(-1)
    week_rep = jnp.pad(
        jnp.tile(time_week_table.reshape(1, _W * _HF), (_L, 1)),
        ((0, 0), (0, _WS - _W * _HF))).reshape(-1)
    out6 = _emb(xday, xweek, day_pad, week_rep)
    return jnp.transpose(out6, (0, 2, 4, 3, 5, 1)).reshape(_B, _F, _N, _T)

# --- scband reference (transcript-rebuilt; emitter-appended) ---
"""Pipeline reference for scband-temporal-embedding-88527865905452 (READ-ONLY COPY).

The authoritative reference and input builder live on the scoring server;
editing this copy changes nothing except your own understanding.
"""

import jax, jax.numpy as jnp
import numpy as np

TIME = 288
FEATURES = 128
B, T, N, C = 32, 12, 1024, 3


def setup_inputs(seed: int = 0) -> dict:
    key = jax.random.key(seed)
    k1, k2, k3 = jax.random.split(key, 3)
    x = jax.random.uniform(k1, (B, T, N, C), dtype=jnp.float32)
    time_day_table = jax.random.normal(k2, (TIME, FEATURES // 2), dtype=jnp.float32)
    time_week_table = jax.random.normal(k3, (7, FEATURES // 2), dtype=jnp.float32)
    return {"x": x, "time_day_table": time_day_table, "time_week_table": time_week_table}


def reference(x, time_day_table, time_week_table):
    # day_emb = x[..., 1]; indices = (day_emb * time).long()
    day_emb = x[..., 1]
    day_idx = jax.lax.stop_gradient(day_emb * TIME).astype(jnp.int32)  # [B, T, N]
    time_day = jnp.take(time_day_table, day_idx, axis=0)  # [B, T, N, F/2]
    time_day = jnp.swapaxes(time_day, 1, 2)  # transpose(1, 2) -> [B, N, T, F/2]

    # week_emb = x[..., 2]; indices = week_emb.long()
    week_emb = x[..., 2]
    week_idx = jax.lax.stop_gradient(week_emb).astype(jnp.int32)  # [B, T, N]
    time_week = jnp.take(time_week_table, week_idx, axis=0)  # [B, T, N, F/2]
    time_week = jnp.swapaxes(time_week, 1, 2)  # [B, N, T, F/2]

    tem_emb = jnp.concatenate([time_day, time_week], axis=-1)  # [B, N, T, F]
    tem_emb = jnp.transpose(tem_emb, (0, 3, 1, 2))  # permute(0, 3, 1, 2) -> [B, F, N, T]
    return tem_emb

if __name__ == "__main__":
    import jax
    _d = setup_inputs()
    print(jax.jit(kernel)(*tuple(_d.values())))

</pallas_src>

<mosaic_0001>
#map = affine_map<(d0, d1) -> (0)>
#map1 = affine_map<(d0, d1) -> (0, 0, 0, 0, 0, 0)>
module attributes {stable_mosaic.version = 14 : i64} {
  func.func @_emb_body(%arg0: i32, %arg1: i32, %arg2: memref<393216xf32, #tpu.memory_space<hbm>>, %arg3: memref<393216xf32, #tpu.memory_space<hbm>>, %arg4: memref<18720xf32, #tpu.memory_space<hbm>>, %arg5: memref<7184xf32, #tpu.memory_space<hbm>>, %arg6: memref<32x12x16x8x8x128xf32, #tpu.memory_space<hbm>>, %arg7: memref<12288xf32, #tpu.memory_space<vmem>>, %arg8: memref<12288xf32, #tpu.memory_space<vmem>>, %arg9: memref<18720xf32, #tpu.memory_space<vmem>>, %arg10: memref<7184xf32, #tpu.memory_space<vmem>>, %arg11: memref<16x2x8x128xf32, #tpu.memory_space<vmem>>, %arg12: memref<16x2x8x128xf32, #tpu.memory_space<vmem>>, %arg13: memref<!tpu.dma_semaphore, #tpu.memory_space<semaphore_mem>>, %arg14: memref<!tpu.dma_semaphore, #tpu.memory_space<semaphore_mem>>) attributes {dimension_semantics = [#tpu.dimension_semantics<core_parallel>, #tpu.dimension_semantics<subcore_parallel>], iteration_bounds = array<i64: 2, 16>, scalar_prefetch = 0 : i64, scratch_operands = 8 : i64, tpu.core_type = #tpu.core_type<sc_vector_subcore>, window_params = [{transform_indices = #map}, {transform_indices = #map}, {transform_indices = #map}, {transform_indices = #map}, {transform_indices = #map1}]} {
    %mul3A = arith.constant 2 : i32
    %mul3A_0 = arith.muli %arg1, %mul3A : i32
    %add3A = arith.addi %mul3A_0, %arg0 : i32
    "tpu.region"() ({
      %run_scoped3A = tpu.sem_alloc : memref<!tpu.dma_semaphore, #tpu.memory_space<semaphore_mem>>
      tpu.enqueue_dma source(%arg4 : memref<18720xf32, #tpu.memory_space<hbm>>) target(%arg9 : memref<18720xf32, #tpu.memory_space<vmem>>) target_semaphore(%run_scoped3A : memref<!tpu.dma_semaphore, #tpu.memory_space<semaphore_mem>>)
      tpu.wait_dma2 semaphore(%run_scoped3A : memref<!tpu.dma_semaphore, #tpu.memory_space<semaphore_mem>>) src(%arg4 : memref<18720xf32, #tpu.memory_space<hbm>>) dst(%arg9 : memref<18720xf32, #tpu.memory_space<vmem>>)
      tpu.yield
    }) : () -> ()
    "tpu.region"() ({
      %run_scoped3A = tpu.sem_alloc : memref<!tpu.dma_semaphore, #tpu.memory_space<semaphore_mem>>
      tpu.enqueue_dma source(%arg5 : memref<7184xf32, #tpu.memory_space<hbm>>) target(%arg10 : memref<7184xf32, #tpu.memory_space<vmem>>) target_semaphore(%run_scoped3A : memref<!tpu.dma_semaphore, #tpu.memory_space<semaphore_mem>>)
      tpu.wait_dma2 semaphore(%run_scoped3A : memref<!tpu.dma_semaphore, #tpu.memory_space<semaphore_mem>>) src(%arg5 : memref<7184xf32, #tpu.memory_space<hbm>>) dst(%arg10 : memref<7184xf32, #tpu.memory_space<vmem>>)
      tpu.yield
    }) : () -> ()
    %mul3A_1 = arith.constant 12288 : i32
    %mul3A_2 = arith.muli %add3A, %mul3A_1 : i32
    "tpu.region"() ({
      %run_scoped3A = tpu.sem_alloc : memref<!tpu.dma_semaphore, #tpu.memory_space<semaphore_mem>>
      %dma_start3A = tpu.memref_slice %arg2[%mul3A_2] : memref<393216xf32, #tpu.memory_space<hbm>> -> memref<12288xf32, #tpu.memory_space<hbm>>
      %dma_start3A_39 = tpu.memref_slice %arg2[%mul3A_2] : memref<393216xf32, #tpu.memory_space<hbm>> -> memref<12288xf32, #tpu.memory_space<hbm>>
      tpu.enqueue_dma source(%dma_start3A_39 : memref<12288xf32, #tpu.memory_space<hbm>>) target(%arg7 : memref<12288xf32, #tpu.memory_space<vmem>>) target_semaphore(%run_scoped3A : memref<!tpu.dma_semaphore, #tpu.memory_space<semaphore_mem>>)
      %dma_wait3A_40 = tpu.memref_slice %arg2[%mul3A_2] : memref<393216xf32, #tpu.memory_space<hbm>> -> memref<12288xf32, #tpu.memory_space<hbm>>
      %dma_wait3A_41 = tpu.memref_slice %arg2[%mul3A_2] : memref<393216xf32, #tpu.memory_space<hbm>> -> memref<12288xf32, #tpu.memory_space<hbm>>
      tpu.wait_dma2 semaphore(%run_scoped3A : memref<!tpu.dma_semaphore, #tpu.memory_space<semaphore_mem>>) src(%dma_wait3A_41 : memref<12288xf32, #tpu.memory_space<hbm>>) dst(%arg7 : memref<12288xf32, #tpu.memory_space<vmem>>)
      tpu.yield
    }) : () -> ()
    %mul3A_3 = arith.constant 12288 : i32
    %mul3A_4 = arith.muli %add3A, %mul3A_3 : i32
    "tpu.region"() ({
      %run_scoped3A = tpu.sem_alloc : memref<!tpu.dma_semaphore, #tpu.memory_space<semaphore_mem>>
      %dma_start3A = tpu.memref_slice %arg3[%mul3A_4] : memref<393216xf32, #tpu.memory_space<hbm>> -> memref<12288xf32, #tpu.memory_space<hbm>>
      %dma_start3A_39 = tpu.memref_slice %arg3[%mul3A_4] : memref<393216xf32, #tpu.memory_space<hbm>> -> memref<12288xf32, #tpu.memory_space<hbm>>
      tpu.enqueue_dma source(%dma_start3A_39 : memref<12288xf32, #tpu.memory_space<hbm>>) target(%arg8 : memref<12288xf32, #tpu.memory_space<vmem>>) target_semaphore(%run_scoped3A : memref<!tpu.dma_semaphore, #tpu.memory_space<semaphore_mem>>)
      %dma_wait3A_40 = tpu.memref_slice %arg3[%mul3A_4] : memref<393216xf32, #tpu.memory_space<hbm>> -> memref<12288xf32, #tpu.memory_space<hbm>>
      %dma_wait3A_41 = tpu.memref_slice %arg3[%mul3A_4] : memref<393216xf32, #tpu.memory_space<hbm>> -> memref<12288xf32, #tpu.memory_space<hbm>>
      tpu.wait_dma2 semaphore(%run_scoped3A : memref<!tpu.dma_semaphore, #tpu.memory_space<semaphore_mem>>) src(%dma_wait3A_41 : memref<12288xf32, #tpu.memory_space<hbm>>) dst(%arg8 : memref<12288xf32, #tpu.memory_space<vmem>>)
      tpu.yield
    }) : () -> ()
    %iota3A = tpu.iota {dimensions = array<i32: 0>} : vector<16xi32>
    %mul3A_5 = arith.constant 449 : i32
    %mul3A_6 = vector.broadcast %mul3A_5 : i32 to vector<16xi32>
    %mul3A_7 = arith.muli %iota3A, %mul3A_6 : vector<16xi32>
    %scan3A = arith.constant 0 : i32
    %scan3A_8 = arith.constant 0 : i32
    %scan3A_9 = arith.constant 24 : i32
    %scan3A_10 = arith.addi %scan3A_8, %scan3A_9 : i32
    %scan3A_11 = arith.constant 1 : i32
    %scan3A_12 = scf.for %scan3A_39 = %scan3A_8 to %scan3A_10 step %scan3A_11 iter_args(%scan3A_40 = %scan3A) -> (i32)  : i32 {
      %mul3A_41 = arith.constant 2 : i32
      %mul3A_42 = arith.muli %scan3A_39, %mul3A_41 : i32
      %add3A_43 = arith.constant 0 : i32
      %add3A_44 = arith.addi %mul3A_42, %add3A_43 : i32
      %div3A = arith.constant 4 : i32
      %div3A_45 = arith.divsi %add3A_44, %div3A : i32
      %rem3A = arith.constant 4 : i32
      %rem3A_46 = arith.remsi %add3A_44, %rem3A : i32
      %mul3A_47 = arith.constant 256 : i32
      %mul3A_48 = arith.muli %rem3A_46, %mul3A_47 : i32
      %div3A_49 = arith.constant 128 : i32
      %div3A_50 = arith.divsi %mul3A_48, %div3A_49 : i32
      %gt3A = arith.constant 0 : i32
      %gt3A_51 = arith.cmpi sgt, %scan3A_39, %gt3A : i32
      %convert_element_type3A = arith.extui %gt3A_51 : i1 to i32
      %cond3A = arith.constant 0 : i32
      %cond3A_52 = arith.cmpi ne, %convert_element_type3A, %cond3A : i32
      scf.if %cond3A_52 {
        %dma_wait3A_110 = arith.constant 0 : i32
        %dma_wait3A_111 = arith.constant 0 : i32
        %dma_wait3A_112 = arith.constant 0 : i32
        %dma_wait3A_113 = arith.constant 0 : i32
        %dma_wait3A_114 = arith.constant 0 : i32
        %dma_wait3A_115 = tpu.memref_slice %arg6[%add3A, %dma_wait3A_110, %dma_wait3A_111, %dma_wait3A_112, %dma_wait3A_113, %dma_wait3A_114] : memref<32x12x16x8x8x128xf32, #tpu.memory_space<hbm>> -> memref<1x1x16x2x8x128xf32, #tpu.memory_space<hbm>>
        %dma_wait3A_116 = tpu.memref_squeeze %dma_wait3A_115 : memref<1x1x16x2x8x128xf32, #tpu.memory_space<hbm>> -> memref<16x2x8x128xf32, #tpu.memory_space<hbm>>
        %dma_wait3A_117 = arith.constant 0 : i32
        %dma_wait3A_118 = arith.constant 0 : i32
        %dma_wait3A_119 = arith.constant 0 : i32
        %dma_wait3A_120 = arith.constant 0 : i32
        %dma_wait3A_121 = tpu.memref_slice %arg6[%add3A, %dma_wait3A_110, %dma_wait3A_117, %dma_wait3A_118, %dma_wait3A_119, %dma_wait3A_120] : memref<32x12x16x8x8x128xf32, #tpu.memory_space<hbm>> -> memref<1x1x16x2x8x128xf32, #tpu.memory_space<hbm>>
        %dma_wait3A_122 = tpu.memref_squeeze %dma_wait3A_121 : memref<1x1x16x2x8x128xf32, #tpu.memory_space<hbm>> -> memref<16x2x8x128xf32, #tpu.memory_space<hbm>>
        tpu.wait_dma2 semaphore(%arg13 : memref<!tpu.dma_semaphore, #tpu.memory_space<semaphore_mem>>) src(%arg11 : memref<16x2x8x128xf32, #tpu.memory_space<vmem>>) dst(%dma_wait3A_122 : memref<16x2x8x128xf32, #tpu.memory_space<hbm>>)
      } else {
      }
      %mul3A_53 = arith.constant 1024 : i32
      %mul3A_54 = arith.muli %div3A_45, %mul3A_53 : i32
      %add3A_55 = arith.addi %mul3A_54, %mul3A_48 : i32
      %scan3A_56 = arith.constant 0 : i32
      %scan3A_57 = arith.constant 0 : i32
      %scan3A_58 = arith.constant 16 : i32
      %scan3A_59 = arith.addi %scan3A_57, %scan3A_58 : i32
      %scan3A_60 = arith.constant 1 : i32
      %scan3A_61 = scf.for %scan3A_110 = %scan3A_57 to %scan3A_59 step %scan3A_60 iter_args(%scan3A_111 = %scan3A_56) -> (i32)  : i32 {
        %mul3A_112 = arith.constant 16 : i32
        %mul3A_113 = arith.muli %scan3A_110, %mul3A_112 : i32
        %add3A_114 = arith.addi %add3A_55, %mul3A_113 : i32
        %get3A = arith.index_cast %add3A_114 : i32 to index
        %get3A_115 = tpu.vector_load %arg7[%get3A] {strides = array<i32>} : memref<12288xf32, #tpu.memory_space<vmem>>, vector<16xf32>,
        %mul3A_116 = arith.constant 16 : i32
        %mul3A_117 = arith.muli %scan3A_110, %mul3A_116 : i32
        %add3A_118 = arith.addi %add3A_55, %mul3A_117 : i32
        %get3A_119 = arith.index_cast %add3A_118 : i32 to index
        %get3A_120 = tpu.vector_load %arg8[%get3A_119] {strides = array<i32>} : memref<12288xf32, #tpu.memory_space<vmem>>, vector<16xf32>,
        %mul3A_121 = arith.constant 2.880000e+02 : f32
        %mul3A_122 = vector.broadcast %mul3A_121 : f32 to vector<16xf32>
        %mul3A_123 = arith.mulf %get3A_115, %mul3A_122 : vector<16xf32>
        %convert_element_type3A_124 = arith.fptosi %mul3A_123 : vector<16xf32> to vector<16xi32>
        %mul3A_125 = arith.constant 65 : i32
        %mul3A_126 = vector.broadcast %mul3A_125 : i32 to vector<16xi32>
        %mul3A_127 = arith.muli %convert_element_type3A_124, %mul3A_126 : vector<16xi32>
        %convert_element_type3A_128 = arith.fptosi %get3A_120 : vector<16xf32> to vector<16xi32>
        %mul3A_129 = arith.constant 64 : i32
        %mul3A_130 = vector.broadcast %mul3A_129 : i32 to vector<16xi32>
        %mul3A_131 = arith.muli %convert_element_type3A_128, %mul3A_130 : vector<16xi32>
        %add3A_132 = arith.addi %mul3A_131, %mul3A_7 : vector<16xi32>
        %mul3A_133 = arith.constant 16 : i32
        %mul3A_134 = arith.muli %scan3A_110, %mul3A_133 : i32
        %jit3A = arith.constant 128 : i32
        %div3A_135 = arith.divsi %mul3A_134, %jit3A : i32
        %sign3A = arith.constant 0 : i32
        %sign3A_136 = arith.cmpi sgt, %mul3A_134, %sign3A : i32
        %sign3A_137 = arith.extui %sign3A_136 : i1 to i32
        %sign3A_138 = arith.constant 0 : i32
        %sign3A_139 = arith.cmpi slt, %mul3A_134, %sign3A_138 : i32
        %sign3A_140 = arith.extui %sign3A_139 : i1 to i32
        %sign3A_141 = arith.subi %sign3A_137, %sign3A_140 : i32
        %sign3A_142 = arith.constant 0 : i32
        %sign3A_143 = arith.cmpi sgt, %jit3A, %sign3A_142 : i32
        %sign3A_144 = arith.extui %sign3A_143 : i1 to i32
        %sign3A_145 = arith.constant 0 : i32
        %sign3A_146 = arith.cmpi slt, %jit3A, %sign3A_145 : i32
        %sign3A_147 = arith.extui %sign3A_146 : i1 to i32
        %sign3A_148 = arith.subi %sign3A_144, %sign3A_147 : i32
        %ne3A = arith.cmpi ne, %sign3A_141, %sign3A_148 : i32
        %rem3A_149 = arith.remsi %mul3A_134, %jit3A : i32
        %ne3A_150 = arith.constant 0 : i32
        %ne3A_151 = arith.cmpi ne, %rem3A_149, %ne3A_150 : i32
        %and3A = arith.andi %ne3A, %ne3A_151 : i1
        %sub3A = arith.constant 1 : i32
        %sub3A_152 = arith.subi %div3A_135, %sub3A : i32
        %select_n3A = arith.select %and3A, %sub3A_152, %div3A_135 : i32
        %jit3A_153 = arith.constant 128 : i32
        %eq3A = arith.constant 0 : i32
        %eq3A_154 = arith.cmpi eq, %jit3A_153, %eq3A : i32
        %jit3A_155 = arith.constant 1 : i32
        %select_n3A_156 = arith.select %eq3A_154, %jit3A_155, %jit3A_153 : i32
        %rem3A_157 = arith.remsi %mul3A_134, %select_n3A_156 : i32
        %ne3A_158 = arith.constant 0 : i32
        %ne3A_159 = arith.cmpi ne, %rem3A_157, %ne3A_158 : i32
        %lt3A = arith.constant 0 : i32
        %lt3A_160 = arith.cmpi slt, %rem3A_157, %lt3A : i32
        %lt3A_161 = arith.constant 0 : i32
        %lt3A_162 = arith.cmpi slt, %select_n3A_156, %lt3A_161 : i32
        %ne3A_163 = arith.xori %lt3A_160, %lt3A_162 : i1
        %and3A_164 = arith.andi %ne3A_163, %ne3A_159 : i1
        %add3A_165 = arith.addi %rem3A_157, %select_n3A_156 : i32
        %select_n3A_166 = arith.select %and3A_164, %add3A_165, %rem3A_157 : i32
        %parallel_loop3A = arith.constant 0 : i32
        %parallel_loop3A_167 = arith.constant 64 : i32
        %parallel_loop3A_168 = arith.constant 1 : i32
        scf.for %parallel_loop3A_170 = %parallel_loop3A to %parallel_loop3A_167 step %parallel_loop3A_168  : i32 {
          %parallel_loop3A_171 = arith.constant 3 : i32
          %parallel_loop3A_172 = arith.shrui %parallel_loop3A_170, %parallel_loop3A_171 : i32
          %parallel_loop3A_173 = arith.constant 8 : i32
          %parallel_loop3A_174 = arith.remsi %parallel_loop3A_170, %parallel_loop3A_173 : i32
          %parallel_loop3A_175 = vector.broadcast %parallel_loop3A_170 : i32 to vector<16xi32>
          %parallel_loop3A_176 = arith.addi %mul3A_127, %parallel_loop3A_175 : vector<16xi32>
          %parallel_loop3A_177 = tpu.vector_load_idx %arg9[%parallel_loop3A_176] : memref<18720xf32, #tpu.memory_space<vmem>>[vector<16xi32>], vector<16xf32>,
          %parallel_loop3A_178 = arith.index_cast %parallel_loop3A_172 : i32 to index
          %parallel_loop3A_179 = arith.index_cast %select_n3A : i32 to index
          %parallel_loop3A_180 = arith.index_cast %parallel_loop3A_174 : i32 to index
          %parallel_loop3A_181 = arith.index_cast %select_n3A_166 : i32 to index
          %parallel_loop3A_182 = tpu.vector_load %arg11[%parallel_loop3A_178, %parallel_loop3A_179, %parallel_loop3A_180, %parallel_loop3A_181] {strides = array<i32>} : memref<16x2x8x128xf32, #tpu.memory_space<vmem>>, vector<16xf32>,
          tpu.vector_store %arg11[%parallel_loop3A_178, %parallel_loop3A_179, %parallel_loop3A_180, %parallel_loop3A_181], %parallel_loop3A_177 {strides = array<i32>} : memref<16x2x8x128xf32, #tpu.memory_space<vmem>>, vector<16xf32>,
          %parallel_loop3A_183 = vector.broadcast %parallel_loop3A_170 : i32 to vector<16xi32>
          %parallel_loop3A_184 = arith.addi %add3A_132, %parallel_loop3A_183 : vector<16xi32>
          %parallel_loop3A_185 = tpu.vector_load_idx %arg10[%parallel_loop3A_184] : memref<7184xf32, #tpu.memory_space<vmem>>[vector<16xi32>], vector<16xf32>,
          %parallel_loop3A_186 = arith.constant 8 : i32
          %parallel_loop3A_187 = arith.addi %parallel_loop3A_172, %parallel_loop3A_186 : i32
          %parallel_loop3A_188 = arith.index_cast %parallel_loop3A_187 : i32 to index
          %parallel_loop3A_189 = arith.index_cast %select_n3A : i32 to index
          %parallel_loop3A_190 = arith.index_cast %parallel_loop3A_174 : i32 to index
          %parallel_loop3A_191 = arith.index_cast %select_n3A_166 : i32 to index
          %parallel_loop3A_192 = tpu.vector_load %arg11[%parallel_loop3A_188, %parallel_loop3A_189, %parallel_loop3A_190, %parallel_loop3A_191] {strides = array<i32>} : memref<16x2x8x128xf32, #tpu.memory_space<vmem>>, vector<16xf32>,
          tpu.vector_store %arg11[%parallel_loop3A_188, %parallel_loop3A_189, %parallel_loop3A_190, %parallel_loop3A_191], %parallel_loop3A_185 {strides = array<i32>} : memref<16x2x8x128xf32, #tpu.memory_space<vmem>>, vector<16xf32>,
        } {sc.loop_unroll_factor = 8 : i64, sc.parallel_access}
        %scan3A_169 = arith.constant 0 : i32
        scf.yield %scan3A_169 : i32
      }
      %scan3A_62 = arith.constant 16 : i32
      %dma_start3A = arith.constant 0 : i32
      %dma_start3A_63 = arith.constant 0 : i32
      %dma_start3A_64 = arith.constant 0 : i32
      %dma_start3A_65 = tpu.memref_slice %arg6[%add3A, %div3A_45, %dma_start3A, %div3A_50, %dma_start3A_63, %dma_start3A_64] : memref<32x12x16x8x8x128xf32, #tpu.memory_space<hbm>> -> memref<1x1x16x2x8x128xf32, #tpu.memory_space<hbm>>
      %dma_start3A_66 = tpu.memref_squeeze %dma_start3A_65 : memref<1x1x16x2x8x128xf32, #tpu.memory_space<hbm>> -> memref<16x2x8x128xf32, #tpu.memory_space<hbm>>
      %dma_start3A_67 = arith.constant 0 : i32
      %dma_start3A_68 = arith.constant 0 : i32
      %dma_start3A_69 = arith.constant 0 : i32
      %dma_start3A_70 = tpu.memref_slice %arg6[%add3A, %div3A_45, %dma_start3A_67, %div3A_50, %dma_start3A_68, %dma_start3A_69] : memref<32x12x16x8x8x128xf32, #tpu.memory_space<hbm>> -> memref<1x1x16x2x8x128xf32, #tpu.memory_space<hbm>>
      %dma_start3A_71 = tpu.memref_squeeze %dma_start3A_70 : memref<1x1x16x2x8x128xf32, #tpu.memory_space<hbm>> -> memref<16x2x8x128xf32, #tpu.memory_space<hbm>>
      tpu.enqueue_dma source(%arg11 : memref<16x2x8x128xf32, #tpu.memory_space<vmem>>) target(%dma_start3A_71 : memref<16x2x8x128xf32, #tpu.memory_space<hbm>>) target_semaphore(%arg13 : memref<!tpu.dma_semaphore, #tpu.memory_space<semaphore_mem>>)
      %mul3A_72 = arith.constant 2 : i32
      %mul3A_73 = arith.muli %scan3A_39, %mul3A_72 : i32
      %add3A_74 = arith.constant 1 : i32
      %add3A_75 = arith.addi %mul3A_73, %add3A_74 : i32
      %div3A_76 = arith.constant 4 : i32
      %div3A_77 = arith.divsi %add3A_75, %div3A_76 : i32
      %rem3A_78 = arith.constant 4 : i32
      %rem3A_79 = arith.remsi %add3A_75, %rem3A_78 : i32
      %mul3A_80 = arith.constant 256 : i32
      %mul3A_81 = arith.muli %rem3A_79, %mul3A_80 : i32
      %div3A_82 = arith.constant 128 : i32
      %div3A_83 = arith.divsi %mul3A_81, %div3A_82 : i32
      %gt3A_84 = arith.constant 0 : i32
      %gt3A_85 = arith.cmpi sgt, %scan3A_39, %gt3A_84 : i32
      %convert_element_type3A_86 = arith.extui %gt3A_85 : i1 to i32
      %cond3A_87 = arith.constant 0 : i32
      %cond3A_88 = arith.cmpi ne, %convert_element_type3A_86, %cond3A_87 : i32
      scf.if %cond3A_88 {
        %dma_wait3A_110 = arith.constant 0 : i32
        %dma_wait3A_111 = arith.constant 0 : i32
        %dma_wait3A_112 = arith.constant 0 : i32
        %dma_wait3A_113 = arith.constant 0 : i32
        %dma_wait3A_114 = arith.constant 0 : i32
        %dma_wait3A_115 = tpu.memref_slice %arg6[%add3A, %dma_wait3A_110, %dma_wait3A_111, %dma_wait3A_112, %dma_wait3A_113, %dma_wait3A_114] : memref<32x12x16x8x8x128xf32, #tpu.memory_space<hbm>> -> memref<1x1x16x2x8x128xf32, #tpu.memory_space<hbm>>
        %dma_wait3A_116 = tpu.memref_squeeze %dma_wait3A_115 : memref<1x1x16x2x8x128xf32, #tpu.memory_space<hbm>> -> memref<16x2x8x128xf32, #tpu.memory_space<hbm>>
        %dma_wait3A_117 = arith.constant 0 : i32
        %dma_wait3A_118 = arith.constant 0 : i32
        %dma_wait3A_119 = arith.constant 0 : i32
        %dma_wait3A_120 = arith.constant 0 : i32
        %dma_wait3A_121 = tpu.memref_slice %arg6[%add3A, %dma_wait3A_110, %dma_wait3A_117, %dma_wait3A_118, %dma_wait3A_119, %dma_wait3A_120] : memref<32x12x16x8x8x128xf32, #tpu.memory_space<hbm>> -> memref<1x1x16x2x8x128xf32, #tpu.memory_space<hbm>>
        %dma_wait3A_122 = tpu.memref_squeeze %dma_wait3A_121 : memref<1x1x16x2x8x128xf32, #tpu.memory_space<hbm>> -> memref<16x2x8x128xf32, #tpu.memory_space<hbm>>
        tpu.wait_dma2 semaphore(%arg14 : memref<!tpu.dma_semaphore, #tpu.memory_space<semaphore_mem>>) src(%arg12 : memref<16x2x8x128xf32, #tpu.memory_space<vmem>>) dst(%dma_wait3A_122 : memref<16x2x8x128xf32, #tpu.memory_space<hbm>>)
      } else {
      }
      %mul3A_89 = arith.constant 1024 : i32
      %mul3A_90 = arith.muli %div3A_77, %mul3A_89 : i32
      %add3A_91 = arith.addi %mul3A_90, %mul3A_81 : i32
      %scan3A_92 = arith.constant 0 : i32
      %scan3A_93 = arith.constant 0 : i32
      %scan3A_94 = arith.constant 16 : i32
      %scan3A_95 = arith.addi %scan3A_93, %scan3A_94 : i32
      %scan3A_96 = arith.constant 1 : i32
      %scan3A_97 = scf.for %scan3A_110 = %scan3A_93 to %scan3A_95 step %scan3A_96 iter_args(%scan3A_111 = %scan3A_92) -> (i32)  : i32 {
        %mul3A_112 = arith.constant 16 : i32
        %mul3A_113 = arith.muli %scan3A_110, %mul3A_112 : i32
        %add3A_114 = arith.addi %add3A_91, %mul3A_113 : i32
        %get3A = arith.index_cast %add3A_114 : i32 to index
        %get3A_115 = tpu.vector_load %arg7[%get3A] {strides = array<i32>} : memref<12288xf32, #tpu.memory_space<vmem>>, vector<16xf32>,
        %mul3A_116 = arith.constant 16 : i32
        %mul3A_117 = arith.muli %scan3A_110, %mul3A_116 : i32
        %add3A_118 = arith.addi %add3A_91, %mul3A_117 : i32
        %get3A_119 = arith.index_cast %add3A_118 : i32 to index
        %get3A_120 = tpu.vector_load %arg8[%get3A_119] {strides = array<i32>} : memref<12288xf32, #tpu.memory_space<vmem>>, vector<16xf32>,
        %mul3A_121 = arith.constant 2.880000e+02 : f32
        %mul3A_122 = vector.broadcast %mul3A_121 : f32 to vector<16xf32>
        %mul3A_123 = arith.mulf %get3A_115, %mul3A_122 : vector<16xf32>
        %convert_element_type3A_124 = arith.fptosi %mul3A_123 : vector<16xf32> to vector<16xi32>
        %mul3A_125 = arith.constant 65 : i32
        %mul3A_126 = vector.broadcast %mul3A_125 : i32 to vector<16xi32>
        %mul3A_127 = arith.muli %convert_element_type3A_124, %mul3A_126 : vector<16xi32>
        %convert_element_type3A_128 = arith.fptosi %get3A_120 : vector<16xf32> to vector<16xi32>
        %mul3A_129 = arith.constant 64 : i32
        %mul3A_130 = vector.broadcast %mul3A_129 : i32 to vector<16xi32>
        %mul3A_131 = arith.muli %convert_element_type3A_128, %mul3A_130 : vector<16xi32>
        %add3A_132 = arith.addi %mul3A_131, %mul3A_7 : vector<16xi32>
        %mul3A_133 = arith.constant 16 : i32
        %mul3A_134 = arith.muli %scan3A_110, %mul3A_133 : i32
        %jit3A = arith.constant 128 : i32
        %div3A_135 = arith.divsi %mul3A_134, %jit3A : i32
        %sign3A = arith.constant 0 : i32
        %sign3A_136 = arith.cmpi sgt, %mul3A_134, %sign3A : i32
        %sign3A_137 = arith.extui %sign3A_136 : i1 to i32
        %sign3A_138 = arith.constant 0 : i32
        %sign3A_139 = arith.cmpi slt, %mul3A_134, %sign3A_138 : i32
        %sign3A_140 = arith.extui %sign3A_139 : i1 to i32
        %sign3A_141 = arith.subi %sign3A_137, %sign3A_140 : i32
        %sign3A_142 = arith.constant 0 : i32
        %sign3A_143 = arith.cmpi sgt, %jit3A, %sign3A_142 : i32
        %sign3A_144 = arith.extui %sign3A_143 : i1 to i32
        %sign3A_145 = arith.constant 0 : i32
        %sign3A_146 = arith.cmpi slt, %jit3A, %sign3A_145 : i32
        %sign3A_147 = arith.extui %sign3A_146 : i1 to i32
        %sign3A_148 = arith.subi %sign3A_144, %sign3A_147 : i32
        %ne3A = arith.cmpi ne, %sign3A_141, %sign3A_148 : i32
        %rem3A_149 = arith.remsi %mul3A_134, %jit3A : i32
        %ne3A_150 = arith.constant 0 : i32
        %ne3A_151 = arith.cmpi ne, %rem3A_149, %ne3A_150 : i32
        %and3A = arith.andi %ne3A, %ne3A_151 : i1
        %sub3A = arith.constant 1 : i32
        %sub3A_152 = arith.subi %div3A_135, %sub3A : i32
        %select_n3A = arith.select %and3A, %sub3A_152, %div3A_135 : i32
        %jit3A_153 = arith.constant 128 : i32
        %eq3A = arith.constant 0 : i32
        %eq3A_154 = arith.cmpi eq, %jit3A_153, %eq3A : i32
        %jit3A_155 = arith.constant 1 : i32
        %select_n3A_156 = arith.select %eq3A_154, %jit3A_155, %jit3A_153 : i32
        %rem3A_157 = arith.remsi %mul3A_134, %select_n3A_156 : i32
        %ne3A_158 = arith.constant 0 : i32
        %ne3A_159 = arith.cmpi ne, %rem3A_157, %ne3A_158 : i32
        %lt3A = arith.constant 0 : i32
        %lt3A_160 = arith.cmpi slt, %rem3A_157, %lt3A : i32
        %lt3A_161 = arith.constant 0 : i32
        %lt3A_162 = arith.cmpi slt, %select_n3A_156, %lt3A_161 : i32
        %ne3A_163 = arith.xori %lt3A_160, %lt3A_162 : i1
        %and3A_164 = arith.andi %ne3A_163, %ne3A_159 : i1
        %add3A_165 = arith.addi %rem3A_157, %select_n3A_156 : i32
        %select_n3A_166 = arith.select %and3A_164, %add3A_165, %rem3A_157 : i32
        %parallel_loop3A = arith.constant 0 : i32
        %parallel_loop3A_167 = arith.constant 64 : i32
        %parallel_loop3A_168 = arith.constant 1 : i32
        scf.for %parallel_loop3A_170 = %parallel_loop3A to %parallel_loop3A_167 step %parallel_loop3A_168  : i32 {
          %parallel_loop3A_171 = arith.constant 3 : i32
          %parallel_loop3A_172 = arith.shrui %parallel_loop3A_170, %parallel_loop3A_171 : i32
          %parallel_loop3A_173 = arith.constant 8 : i32
          %parallel_loop3A_174 = arith.remsi %parallel_loop3A_170, %parallel_loop3A_173 : i32
          %parallel_loop3A_175 = vector.broadcast %parallel_loop3A_170 : i32 to vector<16xi32>
          %parallel_loop3A_176 = arith.addi %mul3A_127, %parallel_loop3A_175 : vector<16xi32>
          %parallel_loop3A_177 = tpu.vector_load_idx %arg9[%parallel_loop3A_176] : memref<18720xf32, #tpu.memory_space<vmem>>[vector<16xi32>], vector<16xf32>,
          %parallel_loop3A_178 = arith.index_cast %parallel_loop3A_172 : i32 to index
          %parallel_loop3A_179 = arith.index_cast %select_n3A : i32 to index
          %parallel_loop3A_180 = arith.index_cast %parallel_loop3A_174 : i32 to index
          %parallel_loop3A_181 = arith.index_cast %select_n3A_166 : i32 to index
          %parallel_loop3A_182 = tpu.vector_load %arg12[%parallel_loop3A_178, %parallel_loop3A_179, %parallel_loop3A_180, %parallel_loop3A_181] {strides = array<i32>} : memref<16x2x8x128xf32, #tpu.memory_space<vmem>>, vector<16xf32>,
          tpu.vector_store %arg12[%parallel_loop3A_178, %parallel_loop3A_179, %parallel_loop3A_180, %parallel_loop3A_181], %parallel_loop3A_177 {strides = array<i32>} : memref<16x2x8x128xf32, #tpu.memory_space<vmem>>, vector<16xf32>,
          %parallel_loop3A_183 = vector.broadcast %parallel_loop3A_170 : i32 to vector<16xi32>
          %parallel_loop3A_184 = arith.addi %add3A_132, %parallel_loop3A_183 : vector<16xi32>
          %parallel_loop3A_185 = tpu.vector_load_idx %arg10[%parallel_loop3A_184] : memref<7184xf32, #tpu.memory_space<vmem>>[vector<16xi32>], vector<16xf32>,
          %parallel_loop3A_186 = arith.constant 8 : i32
          %parallel_loop3A_187 = arith.addi %parallel_loop3A_172, %parallel_loop3A_186 : i32
          %parallel_loop3A_188 = arith.index_cast %parallel_loop3A_187 : i32 to index
          %parallel_loop3A_189 = arith.index_cast %select_n3A : i32 to index
          %parallel_loop3A_190 = arith.index_cast %parallel_loop3A_174 : i32 to index
          %parallel_loop3A_191 = arith.index_cast %select_n3A_166 : i32 to index
          %parallel_loop3A_192 = tpu.vector_load %arg12[%parallel_loop3A_188, %parallel_loop3A_189, %parallel_loop3A_190, %parallel_loop3A_191] {strides = array<i32>} : memref<16x2x8x128xf32, #tpu.memory_space<vmem>>, vector<16xf32>,
          tpu.vector_store %arg12[%parallel_loop3A_188, %parallel_loop3A_189, %parallel_loop3A_190, %parallel_loop3A_191], %parallel_loop3A_185 {strides = array<i32>} : memref<16x2x8x128xf32, #tpu.memory_space<vmem>>, vector<16xf32>,
        } {sc.loop_unroll_factor = 8 : i64, sc.parallel_access}
        %scan3A_169 = arith.constant 0 : i32
        scf.yield %scan3A_169 : i32
      }
      %scan3A_98 = arith.constant 16 : i32
      %dma_start3A_99 = arith.constant 0 : i32
      %dma_start3A_100 = arith.constant 0 : i32
      %dma_start3A_101 = arith.constant 0 : i32
      %dma_start3A_102 = tpu.memref_slice %arg6[%add3A, %div3A_77, %dma_start3A_99, %div3A_83, %dma_start3A_100, %dma_start3A_101] : memref<32x12x16x8x8x128xf32, #tpu.memory_space<hbm>> -> memref<1x1x16x2x8x128xf32, #tpu.memory_space<hbm>>
      %dma_start3A_103 = tpu.memref_squeeze %dma_start3A_102 : memref<1x1x16x2x8x128xf32, #tpu.memory_space<hbm>> -> memref<16x2x8x128xf32, #tpu.memory_space<hbm>>
      %dma_start3A_104 = arith.constant 0 : i32
      %dma_start3A_105 = arith.constant 0 : i32
      %dma_start3A_106 = arith.constant 0 : i32
      %dma_start3A_107 = tpu.memref_slice %arg6[%add3A, %div3A_77, %dma_start3A_104, %div3A_83, %dma_start3A_105, %dma_start3A_106] : memref<32x12x16x8x8x128xf32, #tpu.memory_space<hbm>> -> memref<1x1x16x2x8x128xf32, #tpu.memory_space<hbm>>
      %dma_start3A_108 = tpu.memref_squeeze %dma_start3A_107 : memref<1x1x16x2x8x128xf32, #tpu.memory_space<hbm>> -> memref<16x2x8x128xf32, #tpu.memory_space<hbm>>
      tpu.enqueue_dma source(%arg12 : memref<16x2x8x128xf32, #tpu.memory_space<vmem>>) target(%dma_start3A_108 : memref<16x2x8x128xf32, #tpu.memory_space<hbm>>) target_semaphore(%arg14 : memref<!tpu.dma_semaphore, #tpu.memory_space<semaphore_mem>>)
      %scan3A_109 = arith.constant 0 : i32
      scf.yield %scan3A_109 : i32
    }
    %scan3A_13 = arith.constant 24 : i32
    %dma_wait3A = arith.constant 0 : i32
    %dma_wait3A_14 = arith.constant 0 : i32
    %dma_wait3A_15 = arith.constant 0 : i32
    %dma_wait3A_16 = arith.constant 0 : i32
    %dma_wait3A_17 = arith.constant 0 : i32
    %dma_wait3A_18 = tpu.memref_slice %arg6[%add3A, %dma_wait3A, %dma_wait3A_14, %dma_wait3A_15, %dma_wait3A_16, %dma_wait3A_17] : memref<32x12x16x8x8x128xf32, #tpu.memory_space<hbm>> -> memref<1x1x16x2x8x128xf32, #tpu.memory_space<hbm>>
    %dma_wait3A_19 = tpu.memref_squeeze %dma_wait3A_18 : memref<1x1x16x2x8x128xf32, #tpu.memory_space<hbm>> -> memref<16x2x8x128xf32, #tpu.memory_space<hbm>>
    %dma_wait3A_20 = arith.constant 0 : i32
    %dma_wait3A_21 = arith.constant 0 : i32
    %dma_wait3A_22 = arith.constant 0 : i32
    %dma_wait3A_23 = arith.constant 0 : i32
    %dma_wait3A_24 = tpu.memref_slice %arg6[%add3A, %dma_wait3A, %dma_wait3A_20, %dma_wait3A_21, %dma_wait3A_22, %dma_wait3A_23] : memref<32x12x16x8x8x128xf32, #tpu.memory_space<hbm>> -> memref<1x1x16x2x8x128xf32, #tpu.memory_space<hbm>>
    %dma_wait3A_25 = tpu.memref_squeeze %dma_wait3A_24 : memref<1x1x16x2x8x128xf32, #tpu.memory_space<hbm>> -> memref<16x2x8x128xf32, #tpu.memory_space<hbm>>
    tpu.wait_dma2 semaphore(%arg13 : memref<!tpu.dma_semaphore, #tpu.memory_space<semaphore_mem>>) src(%arg11 : memref<16x2x8x128xf32, #tpu.memory_space<vmem>>) dst(%dma_wait3A_25 : memref<16x2x8x128xf32, #tpu.memory_space<hbm>>)
    %dma_wait3A_26 = arith.constant 0 : i32
    %dma_wait3A_27 = arith.constant 0 : i32
    %dma_wait3A_28 = arith.constant 0 : i32
    %dma_wait3A_29 = arith.constant 0 : i32
    %dma_wait3A_30 = arith.constant 0 : i32
    %dma_wait3A_31 = tpu.memref_slice %arg6[%add3A, %dma_wait3A_26, %dma_wait3A_27, %dma_wait3A_28, %dma_wait3A_29, %dma_wait3A_30] : memref<32x12x16x8x8x128xf32, #tpu.memory_space<hbm>> -> memref<1x1x16x2x8x128xf32, #tpu.memory_space<hbm>>
    %dma_wait3A_32 = tpu.memref_squeeze %dma_wait3A_31 : memref<1x1x16x2x8x128xf32, #tpu.memory_space<hbm>> -> memref<16x2x8x128xf32, #tpu.memory_space<hbm>>
    %dma_wait3A_33 = arith.constant 0 : i32
    %dma_wait3A_34 = arith.constant 0 : i32
    %dma_wait3A_35 = arith.constant 0 : i32
    %dma_wait3A_36 = arith.constant 0 : i32
    %dma_wait3A_37 = tpu.memref_slice %arg6[%add3A, %dma_wait3A_26, %dma_wait3A_33, %dma_wait3A_34, %dma_wait3A_35, %dma_wait3A_36] : memref<32x12x16x8x8x128xf32, #tpu.memory_space<hbm>> -> memref<1x1x16x2x8x128xf32, #tpu.memory_space<hbm>>
    %dma_wait3A_38 = tpu.memref_squeeze %dma_wait3A_37 : memref<1x1x16x2x8x128xf32, #tpu.memory_space<hbm>> -> memref<16x2x8x128xf32, #tpu.memory_space<hbm>>
    tpu.wait_dma2 semaphore(%arg14 : memref<!tpu.dma_semaphore, #tpu.memory_space<semaphore_mem>>) src(%arg12 : memref<16x2x8x128xf32, #tpu.memory_space<vmem>>) dst(%dma_wait3A_38 : memref<16x2x8x128xf32, #tpu.memory_space<hbm>>)
    return
  }
}

</mosaic_0001>

<sc_bundles>
// kernel: kernel.3.cloned.1.call-start
scs
__scs_entry_jumppad:
0x0: {  	(pc) =	sbr.rel $0x88, $3  }
0x1: {  	(tag) =	ssettag $0x0;
	lr =	simm.s32 $0x1  }
0x2: {  	[smem:$0x3F9E] =	sst lr;
	_ =	strace $0xD0000000  }
0x3: {  	_ = 	snop  }
0x4: {  	_ = 	snop  }
0x5: {  	_ = 	snop  }
0x6: {  	_ = 	snop  }
0x7: {  	_ = 	snop  }
__scs_overlays_trampoline_lowered:
0x8: {  	[smem:$0x3FAD] =	sst s0  }
0x9: {  	[smem:$0x3FAE] =	sst s1  }
0xa: {  	[smem:$0x3FAF] =	sst s2  }
0xb: {  	[smem:$0x3FB0] =	sst s3  }
0xc: {  	[smem:$0x3FB1] =	sst s4  }
0xd: {  	[smem:$0x3FB2] =	sst s5  }
0xe: {  	[smem:$0x3FB3] =	sst s6  }
0xf: {  	[smem:$0x3FB4] =	sst s7  }
0x10: {  	[smem:$0x3FB5] =	sst s8  }
0x11: {  	[smem:$0x3FB6] =	sst s9;
	s0 =	simm.s32 @!p0 $0x0  }
0x12: {  	s1 =	sld [smem:$0x3F9C];
	s0 =	simm.s32 @p0 $0x1  }
0x13: {  	[smem:$0x3FB7] =	sst s0;
	s0 =	simm.s32 @!p1 $0x0  }
0x14: {  	s2 =	sld [smem:$0x3F9B];
	s0 =	simm.s32 @p1 $0x1  }
0x15: {  	[smem:$0x3FB8] =	sst s0;
	s0 =	simm.s32 @!p2 $0x0  }
0x16: {  	s3 =	sld [smem:$0x3FDB];
	s0 =	simm.s32 @p2 $0x1  }
0x17: {  	s4 =	simm.s32 $0x1BF5;
	[smem:$0x3FBA] =	sst s0  }
0x18: {  	s0 =	sld [smem:$0x3F9D];
	_ =	swait.ge [sflag:s4], $0x0  }
0x19: {  	s7 =	sld [smem:$0x3F9E]  }
0x1a: {  	s8 =	sadd.s32 $0xFFFFE003, lr  }
0x1b: {  	s9 =	sadd.s32 $0xFFFFFEF7, lr;
	s5 =	simm.s32 $0xFFFFFFFF;
	p2 =	slt.u32 s8, $0xFFFFF086  }
0x1c: {  	p1 =	slt.u32 s9, $0xF7A;
	s5 =	simm.s32 @!p2 $0x0  }
0x1d: {  	s5 =	simm.s32 @p1 $0x1;
	p0 =	seq.s32 s7, s2  }
0x1e: {  	s7 =	smul.u32 @!p0 $0xF7A, s2;
	p2 =	seq.s32 @!p0 s5, $0x0  }
0x1f: {  	s9 =	smul.u32 $0xF7A, s1;
	s8 =	simm.s32 @!p0 $0x1BF5;
	p2 =	por !p2, p0  }
0x20: {  	[sflag:s8] =	ssyncset.s32 @!p0 $0xFFFFF086;
	s6 =	sadd.s32 @!p0 s3, s7;
	s7 =	simm.s32 @!p0 $0x108  }
0x21: {  	s3 =	sadd.s32 s3, s9;
	s6 =	sadd.s32 @!p0 $0x88, s6;
	s7 =	simm.s32 @p2 $0x1082  }
0x22: {  	[simem:s7], [sflag:s8] =	dma.local @!p0 [hbm:s6], $0xF7A  }
0x23: {  	s9 =	sor.u32 $0xD0000000, s2;
	s6 =	simm.s32 $0x108;
	_ =	swait.ge @!p0 [sflag:s8], $0x0  }
0x24: {  	s3 =	sadd.s32 $0x88, s3;
	s6 =	simm.s32 @!p1 $0x1082;
	[sflag:s4] =	ssyncset.s32 $0xFFFFF086  }
0x25: {  	[simem:s6], [sflag:s4] =	dma.local [hbm:s3], $0xF7A  }
0x26: {  	[smem:$0x3F9E] =	sst s1;
	(tag) =	ssettag s2;
	_ =	strace s9  }
0x27: {  	s1 =	sld [smem:$0x3FAE]  }
0x28: {  	s2 =	sld [smem:$0x3FAF]  }
0x29: {  	s4 =	sld [smem:$0x3FB1]  }
0x2a: {  	p0 =	seq.s32 s5, $0x0;
	s5 =	sld [smem:$0x3FB2]  }
0x2b: {  	s6 =	sld [smem:$0x3FB3]  }
0x2c: {  	s7 =	sld [smem:$0x3FB4]  }
0x2d: {  	s3 =	simm.s32 $0x108;
	s8 =	sld [smem:$0x3FB5]  }
0x2e: {  	s3 =	simm.s32 @!p0 $0x1082;
	s9 =	sld [smem:$0x3FB6]  }
0x2f: {  	lr =	sadd.s32 s0, s3;
	s0 =	sld [smem:$0x3FAD]  }
0x30: {  	s3 =	sld [smem:$0x3FB0]  }
0x31: {  	[smem:$0x3FB9] =	sst s10  }
0x32: {  	s10 =	sld [smem:$0x3FB7];
	_ =	sdelay $0x3  }
0x33: {  	p0 =	seq.s32 s10, $0x1;
	s10 =	sld [smem:$0x3FB9];
	_ =	sdelay $0x3  }
0x34: {  	[smem:$0x3FB9] =	sst s10  }
0x35: {  	s10 =	sld [smem:$0x3FB8];
	_ =	sdelay $0x3  }
0x36: {  	p1 =	seq.s32 s10, $0x1;
	s10 =	sld [smem:$0x3FB9];
	_ =	sdelay $0x3  }
0x37: {  	[smem:$0x3FB9] =	sst s10  }
0x38: {  	s10 =	sld [smem:$0x3FBA]  }
0x39: {  	_ = 	snop;
	(pc) =	sbr.ind lr, $3  }
0x3a: {  	_ = 	snop  }
0x3b: {  	_ = 	snop  }
0x3c: {  	p2 =	seq.s32 s10, $0x1;
	s10 =	sld [smem:$0x3FB9]  }
0x3d: {  	_ =	shalt  }
0x3e: {  	_ =	shalt  }
0x3f: {  	_ =	shalt  }
0x40: {  	_ =	shalt  }
0x41: {  	_ =	shalt  }
0x42: {  	_ =	shalt  }
0x43: {  	_ =	shalt  }
0x44: {  	_ =	shalt  }
0x45: {  	_ =	shalt  }
0x46: {  	_ =	shalt  }
0x47: {  	_ =	shalt  }
0x48: {  	_ =	shalt  }
0x49: {  	_ =	shalt  }
0x4a: {  	_ =	shalt  }
0x4b: {  	_ =	shalt  }
0x4c: {  	_ =	shalt  }
0x4d: {  	_ =	shalt  }
0x4e: {  	_ =	shalt  }
0x4f: {  	_ =	shalt  }
0x50: {  	_ =	shalt  }
0x51: {  	_ =	shalt  }
0x52: {  	_ =	shalt  }
0x53: {  	_ =	shalt  }
0x54: {  	_ =	shalt  }
0x55: {  	_ =	shalt  }
0x56: {  	_ =	shalt  }
0x57: {  	_ =	shalt  }
0x58: {  	_ =	shalt  }
0x59: {  	_ =	shalt  }
0x5a: {  	_ =	shalt  }
0x5b: {  	_ =	shalt  }
0x5c: {  	_ =	shalt  }
0x5d: {  	_ =	shalt  }
0x5e: {  	_ =	shalt  }
0x5f: {  	_ =	shalt  }
0x60: {  	_ =	shalt  }
0x61: {  	_ =	shalt  }
0x62: {  	_ =	shalt  }
0x63: {  	_ =	shalt  }
0x64: {  	_ =	shalt  }
0x65: {  	_ =	shalt  }
0x66: {  	_ =	shalt  }
0x67: {  	_ =	shalt  }
0x68: {  	_ =	shalt  }
0x69: {  	_ =	shalt  }
0x6a: {  	_ =	shalt  }
0x6b: {  	_ =	shalt  }
0x6c: {  	_ =	shalt  }
0x6d: {  	_ =	shalt  }
0x6e: {  	_ =	shalt  }
0x6f: {  	_ =	shalt  }
0x70: {  	_ =	shalt  }
0x71: {  	_ =	shalt  }
0x72: {  	_ =	shalt  }
0x73: {  	_ =	shalt  }
0x74: {  	_ =	shalt  }
0x75: {  	_ =	shalt  }
0x76: {  	_ =	shalt  }
0x77: {  	_ =	shalt  }
0x78: {  	_ =	shalt  }
0x79: {  	_ =	shalt  }
0x7a: {  	_ =	shalt  }
0x7b: {  	_ =	shalt  }
0x7c: {  	_ =	shalt  }
0x7d: {  	_ =	shalt  }
0x7e: {  	_ =	shalt  }
0x7f: {  	_ =	shalt  }
0x80: {  	_ =	shalt  }
0x81: {  	_ =	shalt  }
0x82: {  	_ =	shalt  }
0x83: {  	_ =	shalt  }
0x84: {  	_ =	shalt  }
0x85: {  	_ =	shalt  }
0x86: {  	_ =	shalt  }
0x87: {  	_ =	shalt  }
.Lfunc_end0:
.L_simem_size_0:
called_computation_lowered:
.L_overlay_start_0:
0x88: {  	s2 =	sld [smem:$0x3FD9]  }
0x89: {  	s3 =	sld [smem:$0x3FFE];
	_ =	sdelay $0x1  }
0x8a: {  	s1 =	srdreg.scid  }
0x8b: {  	s0 =	sand.u32 $0x1, s1  }
0x8c: {  	s17 =	sshll.u32 s0, $0xA;
	s2 =	sadd.s32 s3, s2  }
0x8d: {  	s2 =	sadd.s32 s2, s17  }
0x8e: {  	[smem:$0x3FC5] =	sst s2  }
0x8f: {  	_ = 	snop  }
0x90: {  	s2 =	sld [smem:$0x3FD0];
	(tm) =	ssettm $0x1  }
0x91: {  	s18 =	sld [smem:$0x3FFB];
	_ =	sdelay $0x3  }
0x92: {  	_ =	strace s18  }
0x93: {  	s3 =	sld [smem:$0x3FFC];
	_ =	sdelay $0x3  }
0x94: {  	_ =	strace s3  }
0x95: {  	s3 =	sld [smem:$0x3FFD];
	_ =	sdelay $0x3  }
0x96: {  	_ =	strace s3  }
0x97: {  	_ =	strace $0x8FFFFFFF  }
0x98: {  	s19 =	sld [smem:$0x3FDB];
	_ =	sdelay $0x1  }
0x99: {  	s4 =	simm.s32 $_scs_section_size  }
0x9a: {  	s5 =	simm.s32 $_size__tile_overlayer_lowered;
	s6 =	simm.s32 $_tile_overlayer_lowered  }
0x9b: {  	s22 =	simm.s32 $0x1BFF;
	s21 =	sshll.u32 s6, $0x1;
	s3 =	sadd.s32 s4, s19  }
0x9c: {  	s7 =	simm.s32 $0x0;
	s20 =	sshll.u32 s5, $0x1;
	s5 =	sadd.s32 s21, s3  }
0x9d: {  	[timem:s7], [sflag:s22] =	dma.local [hbm:s5], s20  }
0x9e: {  	_ =	swait.ge [sflag:s22], s20  }
0x9f: {  	s4 =	ssub.s32 $0x0, s20;
	[sflag:s22] =	ssyncset.done $0x0  }
0xa0: {  	[sflag:s22] =	ssyncadd.s32 s4;
	_ =	sdelay $0x1  }
0xa1: {  	s23 =	simm.s32 $0x1B8B  }
0xa2: {  	_ =	swait.ge [sflag:s23], $0x1  }
0xa3: {  	[sflag:s23] =	ssyncset.done $0x0  }
0xa4: {  	s25 =	simm.s32 $0x1B8E;
	s24 =	sld [smem:$0x3FFE];
	[sflag:s23] =	ssyncadd.s32 $0xFFFFFFFF  }
0xa5: {  	s26 =	simm.s32 $execute0_lowered;
	[smem:$0x3FD2] =	sst s25  }
0xa6: {  	s5 =	sshll.u32 s26, $0x1;
	_ =	strace $0x80000046;
	[dreg:$0x1] =	wrdreg $0xFFFFFFFF  }
0xa7: {  	s28 =	simm.s32 $_size_execute0_lowered;
	s3 =	sadd.s32 s3, s5;
	[dreg:$0x0] =	wrdreg $0x0  }
0xa8: {  	s5 =	sshll.u32 s28, $0x1;
	[dreg:$0x2] =	wrdreg s3  }
0xa9: {  	[dreg:$0x3] =	wrdreg s5  }
0xaa: {  	[dreg:$0x4] =	wrdreg $0xC0  }
0xab: {  	_ =	task [dreg:s7], $0x5FFFF  }
0xac: {  	[dreg:$0x1] =	wrdreg $0xFFFFFFFF  }
0xad: {  	[dreg:$0x0] =	wrdreg $0x60  }
0xae: {  	[dreg:$0x2] =	wrdreg s24  }
0xaf: {  	[dreg:$0x3] =	wrdreg s2  }
0xb0: {  	[dreg:$0x4] =	wrdreg $0x9  }
0xb1: {  	_ =	task.clear_ibuf [dreg:s7], $0x5FFFF;
	_ =	strace $0x90000046  }
0xb2: {  	s29 =	simm.s32 $0x9;
	_ =	strace $0x80000048  }
0xb3: {  	_ =	swait.ge [sflag:s29], $0x1  }
0xb4: {  	[sflag:s29] =	ssyncadd.s32 $0xFFFFFFFF  }
0xb5: {  	_ =	strace $0x90000048  }
0xb6: {  	_ =	sfence  }
0xb7: {  	s30 =	sld [smem:$0x0];
	_ =	sdelay $0x2  }
0xb8: {  	s31 =	sshll.u32 s1, $0xD;
	s1 =	sshrl.u32 s1, $0x2  }
0xb9: {  	s3 =	sand.u32 $0x4000, s31;
	s1 =	sadd.s32 s1, s30  }
0xba: {  	s0 =	sor.u32 s3, s0;
	s1 =	sshll.u32 s1, $0x11  }
0xbb: {  	s0 =	sor.u32 s1, s0  }
0xbc: {  	s0 =	sadd.s32 $0x8F2B, s0  }
0xbd: {  	[sflag:s0] =	ssyncadd.remote.s32 $0x1  }
0xbe: {  	_ =	sfence.sel $0xFFFF  }
0xbf: {  	[dreg:$0x0] =	wrdreg $0xFFFFFFFF;
	(pc) =	sbr.abs _section_cstart, $3  }
0xc0: {  	[dreg:$0x1] =	wrdreg $0xFFFFFFFF  }
0xc1: {  	_ =	task.clear_ibuf [dreg:s7], $0x2FFFF;
	_ =	strace $0x9FFFFFFF  }
0xc2: {  	(tm) =	ssettm $0x7FFFFFFF  }
0xc3: {  	_ =	shalt  }
tec
execute0_lowered:
.L_overlay_start_1:
0x0: {  	(tag) =	ssettag $0x1  }
0x1: {  	s0 =	srdreg.scid  }
0x2: {  	s2 =	stileid.u32;
	s1 =	rddreg [dreg:$0x0]  }
0x3: {  	s10 =	simm.s32 $0x6000;
	s11 =	simm.s32 $0x3;
	s12 =	simm.s32 $0xA920  }
0x4: {  	s14 =	simm.s32 $0x800;
	s15 =	simm.s32 $0x2000;
	s16 =	simm.s32 $0xC530  }
0x5: {  	s0 =	sand.u32 $0x1, s0;
	s3 =	sshll.u32 s2, $0x1;
	s2 =	rddreg [dreg:$0x1]  }
0x6: {  	s29 =	sadd.s32 $0xA00, s1;
	s8 =	sor.u32 s0, s3;
	s3 =	simm.s32 $0x0  }
0x7: {  	s0 =	ssub.s32 $0x2, s0;
	s4 =	smul.u32 $0x600, s8;
	[smem:$0x7FF] =	sst s3  }
0x8: {  	s6 =	sshrl.u32 s0, $0x1;
	_ =	strace $0x80000047;
	[dreg:$0x3] =	wrdreg s29  }
0x9: {  	s0 =	ssub.s32 s0, s6;
	s7 =	sadd.s32 s4, s1;
	s1 =	sadd.s32 $0x600, s1  }
0xa: {  	s17 =	simm.s32 $0x14530;
	s0 =	smax.u32 s0, $0x1;
	[dreg:$0x4] =	wrdreg s1  }
0xb: {  	s18 =	simm.s32 $0x1;
	s30 =	sadd.s32 $0xD400, s7;
	[dreg:$0x7] =	wrdreg s0  }
0xc: {  	v1 =	vlaneseq.u32;
	s19 =	simm.s32 $0x2;
	s31 =	sadd.s32 $0x1400, s7;
	[dreg:$0x5] =	wrdreg s30  }
0xd: {  	s20 =	simm.s32 $0x0;
	v0 =	vmul.u32 $0x1C1, v1;
	v1 =	vand.u32 $0x7, v1;
	s8 =	smul.u32 $0x180000, s8;
	[dreg:$0x6] =	wrdreg s31  }
.LBB2_1:
0xe: {  	s0 =	rddreg [dreg:$0x3]  }
0xf: {  	[tilespmem:s10], [sflag:$0x3] =	stream.linear.gather [hbm4b:s0+s3], $0x4920, $0x38;
	[tilespmem:$0x1C530] =	vst v63  }
0x10: {  	_ =	swait.ge [sflag:s11], $0x4920  }
0x11: {  	[sflag:s11] =	ssyncset.done $0x0  }
0x12: {  	s29 =	rddreg [dreg:$0x4];
	[sflag:s11] =	ssyncadd.s32 $0xFFFFB6E0  }
0x13: {  	[tilespmem:s12], [sflag:$0x3] =	stream.linear.gather [hbm4b:s29+s3], $0x1C10, $0x38;
	[tilespmem:$0x1C530] =	vst v63  }
0x14: {  	_ =	swait.ge [sflag:s11], $0x1C10  }
0x15: {  	[sflag:s11] =	ssyncset.done $0x0  }
0x16: {  	s30 =	rddreg [dreg:$0x5];
	[sflag:s11] =	ssyncadd.s32 $0xFFFFE3F0  }
0x17: {  	[tilespmem:s3], [sflag:$0x3] =	stream.linear.gather [hbm4b:s30+s3], $0x3000, $0x38;
	[tilespmem:$0x1C530] =	vst v63  }
0x18: {  	_ =	swait.ge [sflag:s11], $0x3000  }
0x19: {  	[sflag:s11] =	ssyncset.done $0x0  }
0x1a: {  	s1 =	simm.s32 $0x3000;
	s31 =	rddreg [dreg:$0x6];
	[sflag:s11] =	ssyncadd.s32 $0xFFFFD000  }
0x1b: {  	[tilespmem:s1], [sflag:$0x3] =	stream.linear.gather [hbm4b:s31+s3], $0x3000, $0x38;
	[tilespmem:$0x1C530] =	vst v63  }
0x1c: {  	_ =	swait.ge [sflag:s11], $0x3000  }
0x1d: {  	[sflag:s11] =	ssyncset.done $0x0  }
0x1e: {  	s21 =	simm.s32 $0x0;
	[sflag:s11] =	ssyncadd.s32 $0xFFFFD000  }
.LBB2_2:
0x1f: {  	p0 =	seq.s32 s21, $0x0;
	s0 =	sshll.u32 s21, $0x1;
	s24 =	sshrl.u32 s21, $0x1  }
0x20: {  	s25 =	simm.s32 $0x0;
	s1 =	simm.s32 @!p0 $0x1;
	s23 =	sand.u32 $0x2, s0  }
0x21: {  	s22 =	sshll.u32 s24, $0xA;
	_ =	swait.ge @!p0 [sflag:s1], $0x8000;
	s0 =	sshll.u32 s23, $0x8  }
0x22: {  	s26 =	simm.s32 $0x0;
	[sflag:s1] =	ssyncset.done @!p0 $0x0;
	s0 =	sor.u32 s22, s0  }
0x23: {  	s28 =	simm.s32 $0x0;
	s29 =	simm.s32 $0x0;
	[sflag:s1] =	ssyncadd.s32 @!p0 $0xFFFF8000;
	v2 =	vmov s0  }
.LBB2_3:
0x24: {  	_ =	sdelay $0x2  }
0x25: {  	s0 =	sshll.u32 s29, $0x4  }
0x26: {  	v3 =	vld.idx.msk [tilespmem:v2+s0+$0x0 ss:$0x1], $0xffff;
	_ =	sdelay $0x4  }
0x27: {  	v3 =	vmul.f32 $2.880000000e+02, v3;
	_ =	sdelay $0x1  }
0x28: {  	v3 =	vtrunc.f32 v3  }
0x29: {  	v3 =	vcvt.f32.s32 v3;
	_ =	sdelay $0x1  }
0x2a: {  	v5 =	vld.idx.msk [tilespmem:v2+s0+$0x3000 ss:$0x1], $0xffff;
	v4 =	vmul.u32 $0x41, v3;
	_ =	sdelay $0x1  }
0x2b: {  	s9 =	simm.s32 $0x7;
	v3 =	vadd.s32 s25, v4  }
0x2c: {  	s1 =	simm.s32 $0x1;
	v6 =	vadd.s32 s9, v4  }
0x2d: {  	s30 =	simm.s32 $0x2;
	v7 =	vadd.s32 s1, v4  }
0x2e: {  	s31 =	simm.s32 $0x3;
	v5 =	vtrunc.f32 v5;
	v8 =	vadd.s32 s30, v4  }
0x2f: {  	s13 =	simm.s32 $0x4;
	v9 =	vcvt.f32.s32 v5;
	v10 =	vadd.s32 s31, v4  }
0x30: {  	s5 =	simm.s32 $0x6;
	v11 =	vadd.s32 s13, v4;
	v5 =	vld.idx.msk [tilespmem:v3+s10+$0x0], $0xffff  }
0x31: {  	s4 =	simm.s32 $0x5;
	v13 =	vadd.s32 s5, v4;
	v3 =	vshll.u32 v9, $0x6;
	v6 =	vld.idx.msk [tilespmem:v6+s10+$0x0], $0xffff  }
0x32: {  	s6 =	sshll.u32 s28, $0x2;
	s7 =	sand.u32 $0x7, s26;
	v9 =	vadd.s32 s4, v4;
	v7 =	vld.idx.msk [tilespmem:v7+s10+$0x0], $0xffff;
	v3 =	vadd.s32 v0, v3  }
0x33: {  	s6 =	sand.u32 $0xFFFFF000, s6;
	s7 =	sshll.u32 s7, $0x6;
	v8 =	vld.idx.msk [tilespmem:v8+s10+$0x0], $0xffff;
	v14 =	vadd.s32 s9, v3  }
0x34: {  	v17 =	vld.idx.msk [tilespmem:v10+s10+$0x0], $0xffff;
	s9 =	sor.u32 s7, s6;
	v15 =	vadd.s32 s1, v3  }
0x35: {  	v19 =	vld.idx.msk [tilespmem:v11+s10+$0x0], $0xffff;
	v18 =	vadd.s32 s30, v3;
	s0 =	sshrl.u32 s9, $0x2  }
0x36: {  	v11 =	vld.idx.msk [tilespmem:v13+s10+$0x0], $0xffff;
	v20 =	vadd.s32 s31, v3;
	s30 =	sadd.s32 $0x10530, s0  }
0x37: {  	v16 =	vadd.s32 s13, v3;
	v12 =	vld.idx.msk [tilespmem:v9+s10+$0x0], $0xffff;
	[tilespmem:s30+$0xFFFFC380] =	vst v6  }
0x38: {  	[tilespmem:s30+$0xFFFFC080] =	vst v7;
	v10 =	vld.idx.msk [tilespmem:v14+s12+$0x0], $0xffff;
	v14 =	vadd.s32 s4, v3  }
0x39: {  	s31 =	simm.s32 $0x8;
	v6 =	vadd.s32 s25, v3;
	[tilespmem:s30+$0xFFFFC100] =	vst v8;
	v7 =	vld.idx.msk [tilespmem:v15+s12+$0x0], $0xffff;
	v15 =	vadd.s32 s5, v3  }
0x3a: {  	[tilespmem:s30+$0xFFFFC180] =	vst v17;
	v9 =	vand.u32 $0xFFFFFFF8, v6;
	v6 =	vadd.s32 s31, v4;
	v8 =	vld.idx.msk [tilespmem:v18+s12+$0x0], $0xffff  }
0x3b: {  	s1 =	simm.s32 $0x10;
	s0 =	simm.s32 $0xF;
	[tilespmem:s30+$0xFFFFC200] =	vst v19;
	v13 =	vor.u32 v1, v9;
	v9 =	vld.idx.msk [tilespmem:v20+s12+$0x0], $0xffff  }
.LBB2_4:
0x3c: {  	p1 =	slt.u32 s1, $0x38;
	s4 =	sadd.s32 $0x1, s31;
	v17 =	vadd.s32 s0, v4;
	v16 =	vld.idx.msk [tilespmem:v16+s12+$0x0], $0xffff;
	[tilespmem:s30+$0xFFFFC280] =	vst v12  }
0x3d: {  	s5 =	sadd.s32 $0x2, s31;
	v12 =	vadd.s32 s4, v4;
	v14 =	vld.idx.msk [tilespmem:v14+s12+$0x0], $0xffff;
	[tilespmem:s30+$0xFFFFC300] =	vst v11  }
0x3e: {  	s6 =	sadd.s32 $0x3, s31;
	v11 =	vadd.s32 s5, v4;
	v15 =	vld.idx.msk [tilespmem:v15+s12+$0x0], $0xffff;
	[tilespmem:s30+$0x380] =	vst v10  }
0x3f: {  	s7 =	sadd.s32 $0x4, s31;
	v10 =	vadd.s32 s6, v4;
	[tilespmem:s30+$0xFFFFC000] =	vst v5;
	v5 =	vld.idx.msk [tilespmem:v6+s10+$0x0], $0xffff  }
0x40: {  	s13 =	sadd.s32 $0x5, s31;
	v6 =	vadd.s32 s7, v4;
	v13 =	vld.idx.msk [tilespmem:v13+s12+$0x0], $0xffff;
	[tilespmem:s30+$0x80] =	vst v7  }
0x41: {  	s9 =	sadd.s32 $0x6, s31;
	v7 =	vadd.s32 s13, v4;
	v17 =	vld.idx.msk [tilespmem:v17+s10+$0x0], $0xffff;
	[tilespmem:s30+$0x100] =	vst v8  }
0x42: {  	v18 =	vadd.s32 s9, v4;
	v8 =	vld.idx.msk [tilespmem:v12+s10+$0x0], $0xffff;
	[tilespmem:s30+$0x180] =	vst v9  }
0x43: {  	v19 =	vadd.s32 s0, v3;
	v9 =	vld.idx.msk [tilespmem:v11+s10+$0x0], $0xffff;
	[tilespmem:s30+$0x200] =	vst v16  }
0x44: {  	v20 =	vadd.s32 s4, v3;
	v21 =	vld.idx.msk [tilespmem:v10+s10+$0x0], $0xffff;
	[tilespmem:s30+$0x280] =	vst v14  }
0x45: {  	v22 =	vadd.s32 s5, v3;
	v23 =	vld.idx.msk [tilespmem:v6+s10+$0x0], $0xffff;
	[tilespmem:s30+$0x300] =	vst v15  }
0x46: {  	v24 =	vadd.s32 s6, v3;
	v12 =	vld.idx.msk [tilespmem:v7+s10+$0x0], $0xffff;
	[tilespmem:s30+$0x0] =	vst v13;
	s30 =	sadd.s32 $0x800, s30  }
.Ltmp0:
0x47: {  	v16 =	vadd.s32 s7, v3;
	v11 =	vld.idx.msk [tilespmem:v18+s10+$0x0], $0xffff;
	[tilespmem:s30+$0xFFFFC380] =	vst v17;
	(pc) =	sbr.rel @p1 .LBB2_4-.Ltmp0, $4  }
0x48: {  	v14 =	vadd.s32 s13, v3;
	[tilespmem:s30+$0xFFFFC080] =	vst v8;
	v10 =	vld.idx.msk [tilespmem:v19+s12+$0x0], $0xffff  }
0x49: {  	v15 =	vadd.s32 s9, v3;
	v8 =	vadd.s32 s31, v3;
	s31 =	smov.u32 s1;
	v7 =	vld.idx.msk [tilespmem:v20+s12+$0x0], $0xffff;
	[tilespmem:s30+$0xFFFFC100] =	vst v9  }
0x4a: {  	v6 =	vadd.s32 s1, v4;
	v9 =	vand.u32 $0xFFFFFFF8, v8;
	v8 =	vld.idx.msk [tilespmem:v22+s12+$0x0], $0xffff;
	[tilespmem:s30+$0xFFFFC180] =	vst v21  }
0x4b: {  	s1 =	sadd.s32 $0x8, s1;
	s0 =	sadd.s32 $0x7, s31;
	v13 =	vor.u32 v1, v9;
	v9 =	vld.idx.msk [tilespmem:v24+s12+$0x0], $0xffff;
	[tilespmem:s30+$0xFFFFC200] =	vst v23  }
0x4c: {  	_ =	sdelay $0x1  }
0x4d: {  	[tilespmem:s30+$0xFFFFC280] =	vst v12  }
0x4e: {  	[tilespmem:s30+$0xFFFFC300] =	vst v11  }
0x4f: {  	s1 =	sadd.s32 $0x1, s31;
	v38 =	vadd.s32 s0, v4;
	v39 =	vld.idx.msk [tilespmem:v16+s12+$0x0], $0xffff;
	[tilespmem:s30+$0xFFFFC000] =	vst v5  }
0x50: {  	s4 =	sadd.s32 $0x2, s31;
	v40 =	vadd.s32 s1, v4;
	[tilespmem:s30+$0x380] =	vst v10;
	v41 =	vld.idx.msk [tilespmem:v14+s12+$0x0], $0xffff  }
0x51: {  	s5 =	sadd.s32 $0x3, s31;
	v42 =	vadd.s32 s4, v4;
	v43 =	vld.idx.msk [tilespmem:v15+s12+$0x0], $0xffff;
	[tilespmem:s30+$0x80] =	vst v7  }
0x52: {  	s6 =	sadd.s32 $0x4, s31;
	v44 =	vadd.s32 s5, v4;
	v13 =	vld.idx.msk [tilespmem:v13+s12+$0x0], $0xffff;
	[tilespmem:s30+$0x100] =	vst v8  }
0x53: {  	s7 =	sadd.s32 $0x5, s31;
	v6 =	vld.idx.msk [tilespmem:v6+s10+$0x0], $0xffff;
	v45 =	vadd.s32 s6, v4;
	[tilespmem:s30+$0x180] =	vst v9  }
0x54: {  	s9 =	sadd.s32 $0x6, s31;
	v57 =	vadd.s32 s31, v3;
	v46 =	vadd.s32 s7, v4;
	v12 =	vld.idx.msk [tilespmem:v38+s10+$0x0], $0xffff;
	[tilespmem:s30+$0x200] =	vst v39  }
0x55: {  	v48 =	vadd.s32 s9, v4;
	v58 =	vand.u32 $0xFFFFFFF8, v57;
	v47 =	vld.idx.msk [tilespmem:v40+s10+$0x0], $0xffff;
	[tilespmem:s30+$0x280] =	vst v41  }
0x56: {  	v10 =	vor.u32 v1, v58;
	v49 =	vld.idx.msk [tilespmem:v42+s10+$0x0], $0xffff;
	[tilespmem:s30+$0x300] =	vst v43  }
0x57: {  	v50 =	vadd.s32 s0, v3;
	v51 =	vld.idx.msk [tilespmem:v44+s10+$0x0], $0xffff;
	[tilespmem:s30+$0x0] =	vst v13;
	s30 =	sadd.s32 $0x800, s30  }
0x58: {  	v52 =	vadd.s32 s1, v3;
	v7 =	vld.idx.msk [tilespmem:v45+s10+$0x0], $0xffff;
	[tilespmem:s30+$0xFFFFC000] =	vst v6  }
0x59: {  	v53 =	vadd.s32 s4, v3;
	v8 =	vld.idx.msk [tilespmem:v46+s10+$0x0], $0xffff;
	[tilespmem:s30+$0xFFFFC380] =	vst v12  }
0x5a: {  	v54 =	vadd.s32 s5, v3;
	v4 =	vld.idx.msk [tilespmem:v48+s10+$0x0], $0xffff;
	[tilespmem:s30+$0xFFFFC080] =	vst v47  }
0x5b: {  	v55 =	vadd.s32 s6, v3;
	v63 =	vld.idx.msk [tilespmem:v10+s12+$0x0], $0xffff;
	[tilespmem:s30+$0xFFFFC100] =	vst v49  }
0x5c: {  	v56 =	vadd.s32 s7, v3;
	v14 =	vld.idx.msk [tilespmem:v50+s12+$0x0], $0xffff;
	[tilespmem:s30+$0xFFFFC180] =	vst v51  }
0x5d: {  	v3 =	vadd.s32 s9, v3;
	[tilespmem:s30+$0xFFFFC200] =	vst v7;
	v5 =	vld.idx.msk [tilespmem:v52+s12+$0x0], $0xffff  }
0x5e: {  	[tilespmem:s30+$0xFFFFC280] =	vst v8;
	v59 =	vld.idx.msk [tilespmem:v53+s12+$0x0], $0xffff  }
0x5f: {  	[tilespmem:s30+$0xFFFFC300] =	vst v4;
	v60 =	vld.idx.msk [tilespmem:v54+s12+$0x0], $0xffff  }
0x60: {  	v61 =	vld.idx.msk [tilespmem:v55+s12+$0x0], $0xffff;
	[tilespmem:s30+$0x0] =	vst v63  }
0x61: {  	s29 =	sadd.s32 $0x1, s29;
	v62 =	vld.idx.msk [tilespmem:v56+s12+$0x0], $0xffff;
	[tilespmem:s30+$0x380] =	vst v14  }
0x62: {  	p1 =	sne.s32 s29, $0x10;
	v3 =	vld.idx.msk [tilespmem:v3+s12+$0x0], $0xffff;
	[tilespmem:s30+$0x80] =	vst v5  }
.Ltmp1:
0x63: {  	[tilespmem:s30+$0x100] =	vst v59;
	(pc) =	sbr.rel @p1 .LBB2_3-.Ltmp1, $4  }
0x64: {  	[tilespmem:s30+$0x180] =	vst v60  }
0x65: {  	[tilespmem:s30+$0x200] =	vst v61  }
0x66: {  	[tilespmem:s30+$0x280] =	vst v62  }
0x67: {  	s28 =	sadd.s32 $0x80, s28;
	s26 =	sadd.s32 $0x1, s26;
	[tilespmem:s30+$0x300] =	vst v3  }
0x68: {  	s0 =	sshll.u32 s24, $0x11  }
0x69: {  	s30 =	sshll.u32 s23, $0xB;
	s24 =	sadd.s32 s8, s0  }
0x6a: {  	s0 =	sor.u32 s30, s24  }
0x6b: {  	s0 =	sshrl.u32 s0, $0x3  }
0x6c: {  	s0 =	sadd.s32 s2, s0  }
0x6d: {  	[hbm4b:s0+s14] =	stream.strided.scatter [tilespmem:s16], [sflag:$0x1], $0x8000, s15, s14, $0x38;
	[tilespmem:$0x1C530] =	vst v63  }
0x6e: {  	s23 =	sor.u32 $0x1, s23;
	s0 =	simm.s32 @!p0 $0x2  }
0x6f: {  	s25 =	simm.s32 $0x0;
	s1 =	sshll.u32 s23, $0x8;
	_ =	swait.ge @!p0 [sflag:s0], $0x8000  }
0x70: {  	s26 =	simm.s32 $0x0;
	s31 =	sor.u32 s22, s1;
	[sflag:s0] =	ssyncset.done @!p0 $0x0  }
0x71: {  	s28 =	simm.s32 $0x0;
	s22 =	simm.s32 $0x0;
	v2 =	vmov s31;
	[sflag:s0] =	ssyncadd.s32 @!p0 $0xFFFF8000  }
.LBB2_7:
0x72: {  	_ =	sdelay $0x2  }
0x73: {  	s0 =	sshll.u32 s28, $0x4  }
0x74: {  	v3 =	vld.idx.msk [tilespmem:v2+s0+$0x0 ss:$0x1], $0xffff;
	_ =	sdelay $0x4  }
0x75: {  	v3 =	vmul.f32 $2.880000000e+02, v3;
	_ =	sdelay $0x1  }
0x76: {  	v3 =	vtrunc.f32 v3  }
0x77: {  	v3 =	vcvt.f32.s32 v3;
	_ =	sdelay $0x1  }
0x78: {  	v5 =	vld.idx.msk [tilespmem:v2+s0+$0x3000 ss:$0x1], $0xffff;
	v4 =	vmul.u32 $0x41, v3;
	_ =	sdelay $0x1  }
0x79: {  	s31 =	simm.s32 $0x7;
	v3 =	vadd.s32 s22, v4  }
0x7a: {  	s1 =	simm.s32 $0x1;
	v6 =	vadd.s32 s31, v4  }
0x7b: {  	s4 =	simm.s32 $0x2;
	v7 =	vadd.s32 s1, v4  }
0x7c: {  	s5 =	simm.s32 $0x3;
	v5 =	vtrunc.f32 v5;
	v8 =	vadd.s32 s4, v4  }
0x7d: {  	s6 =	simm.s32 $0x4;
	v9 =	vcvt.f32.s32 v5;
	v10 =	vadd.s32 s5, v4  }
0x7e: {  	s9 =	simm.s32 $0x6;
	v11 =	vadd.s32 s6, v4;
	v5 =	vld.idx.msk [tilespmem:v3+s10+$0x0], $0xffff  }
0x7f: {  	s7 =	simm.s32 $0x5;
	v13 =	vadd.s32 s9, v4;
	v3 =	vshll.u32 v9, $0x6;
	v6 =	vld.idx.msk [tilespmem:v6+s10+$0x0], $0xffff  }
0x80: {  	s13 =	sshll.u32 s26, $0x2;
	s29 =	sand.u32 $0x7, s25;
	v9 =	vadd.s32 s7, v4;
	v7 =	vld.idx.msk [tilespmem:v7+s10+$0x0], $0xffff;
	v3 =	vadd.s32 v0, v3  }
0x81: {  	s13 =	sand.u32 $0xFFFFF000, s13;
	s29 =	sshll.u32 s29, $0x6;
	v8 =	vld.idx.msk [tilespmem:v8+s10+$0x0], $0xffff;
	v14 =	vadd.s32 s31, v3  }
0x82: {  	v17 =	vld.idx.msk [tilespmem:v10+s10+$0x0], $0xffff;
	s31 =	sor.u32 s29, s13;
	v15 =	vadd.s32 s1, v3  }
0x83: {  	v19 =	vld.idx.msk [tilespmem:v11+s10+$0x0], $0xffff;
	v18 =	vadd.s32 s4, v3;
	s0 =	sshrl.u32 s31, $0x2  }
0x84: {  	v11 =	vld.idx.msk [tilespmem:v13+s10+$0x0], $0xffff;
	v20 =	vadd.s32 s5, v3;
	s29 =	sadd.s32 $0x18530, s0  }
0x85: {  	v16 =	vadd.s32 s6, v3;
	v12 =	vld.idx.msk [tilespmem:v9+s10+$0x0], $0xffff;
	[tilespmem:s29+$0xFFFFC380] =	vst v6  }
0x86: {  	[tilespmem:s29+$0xFFFFC080] =	vst v7;
	v10 =	vld.idx.msk [tilespmem:v14+s12+$0x0], $0xffff;
	v14 =	vadd.s32 s7, v3  }
0x87: {  	s30 =	simm.s32 $0x8;
	v6 =	vadd.s32 s22, v3;
	[tilespmem:s29+$0xFFFFC100] =	vst v8;
	v7 =	vld.idx.msk [tilespmem:v15+s12+$0x0], $0xffff;
	v15 =	vadd.s32 s9, v3  }
0x88: {  	[tilespmem:s29+$0xFFFFC180] =	vst v17;
	v9 =	vand.u32 $0xFFFFFFF8, v6;
	v6 =	vadd.s32 s30, v4;
	v8 =	vld.idx.msk [tilespmem:v18+s12+$0x0], $0xffff  }
0x89: {  	s1 =	simm.s32 $0x10;
	s0 =	simm.s32 $0xF;
	[tilespmem:s29+$0xFFFFC200] =	vst v19;
	v13 =	vor.u32 v1, v9;
	v9 =	vld.idx.msk [tilespmem:v20+s12+$0x0], $0xffff  }
.LBB2_8:
0x8a: {  	p0 =	slt.u32 s1, $0x38;
	s4 =	sadd.s32 $0x1, s30;
	v17 =	vadd.s32 s0, v4;
	v16 =	vld.idx.msk [tilespmem:v16+s12+$0x0], $0xffff;
	[tilespmem:s29+$0xFFFFC280] =	vst v12  }
0x8b: {  	s5 =	sadd.s32 $0x2, s30;
	v12 =	vadd.s32 s4, v4;
	v14 =	vld.idx.msk [tilespmem:v14+s12+$0x0], $0xffff;
	[tilespmem:s29+$0xFFFFC300] =	vst v11  }
0x8c: {  	s6 =	sadd.s32 $0x3, s30;
	v11 =	vadd.s32 s5, v4;
	v15 =	vld.idx.msk [tilespmem:v15+s12+$0x0], $0xffff;
	[tilespmem:s29+$0x380] =	vst v10  }
0x8d: {  	s7 =	sadd.s32 $0x4, s30;
	v10 =	vadd.s32 s6, v4;
	[tilespmem:s29+$0xFFFFC000] =	vst v5;
	v5 =	vld.idx.msk [tilespmem:v6+s10+$0x0], $0xffff  }
0x8e: {  	s9 =	sadd.s32 $0x5, s30;
	v6 =	vadd.s32 s7, v4;
	v13 =	vld.idx.msk [tilespmem:v13+s12+$0x0], $0xffff;
	[tilespmem:s29+$0x80] =	vst v7  }
0x8f: {  	s13 =	sadd.s32 $0x6, s30;
	v7 =	vadd.s32 s9, v4;
	v17 =	vld.idx.msk [tilespmem:v17+s10+$0x0], $0xffff;
	[tilespmem:s29+$0x100] =	vst v8  }
0x90: {  	v18 =	vadd.s32 s13, v4;
	v8 =	vld.idx.msk [tilespmem:v12+s10+$0x0], $0xffff;
	[tilespmem:s29+$0x180] =	vst v9  }
0x91: {  	v19 =	vadd.s32 s0, v3;
	v9 =	vld.idx.msk [tilespmem:v11+s10+$0x0], $0xffff;
	[tilespmem:s29+$0x200] =	vst v16  }
0x92: {  	v20 =	vadd.s32 s4, v3;
	v21 =	vld.idx.msk [tilespmem:v10+s10+$0x0], $0xffff;
	[tilespmem:s29+$0x280] =	vst v14  }
0x93: {  	v22 =	vadd.s32 s5, v3;
	v23 =	vld.idx.msk [tilespmem:v6+s10+$0x0], $0xffff;
	[tilespmem:s29+$0x300] =	vst v15  }
0x94: {  	v24 =	vadd.s32 s6, v3;
	v12 =	vld.idx.msk [tilespmem:v7+s10+$0x0], $0xffff;
	[tilespmem:s29+$0x0] =	vst v13;
	s29 =	sadd.s32 $0x800, s29  }
.Ltmp2:
0x95: {  	v16 =	vadd.s32 s7, v3;
	v11 =	vld.idx.msk [tilespmem:v18+s10+$0x0], $0xffff;
	[tilespmem:s29+$0xFFFFC380] =	vst v17;
	(pc) =	sbr.rel @p0 .LBB2_8-.Ltmp2, $4  }
0x96: {  	v14 =	vadd.s32 s9, v3;
	[tilespmem:s29+$0xFFFFC080] =	vst v8;
	v10 =	vld.idx.msk [tilespmem:v19+s12+$0x0], $0xffff  }
0x97: {  	v15 =	vadd.s32 s13, v3;
	v8 =	vadd.s32 s30, v3;
	s30 =	smov.u32 s1;
	v7 =	vld.idx.msk [tilespmem:v20+s12+$0x0], $0xffff;
	[tilespmem:s29+$0xFFFFC100] =	vst v9  }
0x98: {  	v6 =	vadd.s32 s1, v4;
	v9 =	vand.u32 $0xFFFFFFF8, v8;
	v8 =	vld.idx.msk [tilespmem:v22+s12+$0x0], $0xffff;
	[tilespmem:s29+$0xFFFFC180] =	vst v21  }
0x99: {  	s1 =	sadd.s32 $0x8, s1;
	s0 =	sadd.s32 $0x7, s30;
	v13 =	vor.u32 v1, v9;
	v9 =	vld.idx.msk [tilespmem:v24+s12+$0x0], $0xffff;
	[tilespmem:s29+$0xFFFFC200] =	vst v23  }
0x9a: {  	_ =	sdelay $0x1  }
0x9b: {  	[tilespmem:s29+$0xFFFFC280] =	vst v12  }
0x9c: {  	[tilespmem:s29+$0xFFFFC300] =	vst v11  }
0x9d: {  	s1 =	sadd.s32 $0x1, s30;
	v38 =	vadd.s32 s0, v4;
	v39 =	vld.idx.msk [tilespmem:v16+s12+$0x0], $0xffff;
	[tilespmem:s29+$0xFFFFC000] =	vst v5  }
0x9e: {  	s4 =	sadd.s32 $0x2, s30;
	v6 =	vld.idx.msk [tilespmem:v6+s10+$0x0], $0xffff;
	v40 =	vadd.s32 s1, v4;
	[tilespmem:s29+$0x380] =	vst v10  }
0x9f: {  	s5 =	sadd.s32 $0x3, s30;
	v41 =	vld.idx.msk [tilespmem:v14+s12+$0x0], $0xffff;
	v42 =	vadd.s32 s4, v4;
	[tilespmem:s29+$0x80] =	vst v7  }
0xa0: {  	s6 =	sadd.s32 $0x4, s30;
	v43 =	vld.idx.msk [tilespmem:v15+s12+$0x0], $0xffff;
	v44 =	vadd.s32 s5, v4;
	[tilespmem:s29+$0x100] =	vst v8  }
0xa1: {  	s7 =	sadd.s32 $0x5, s30;
	v45 =	vadd.s32 s6, v4;
	v13 =	vld.idx.msk [tilespmem:v13+s12+$0x0], $0xffff;
	[tilespmem:s29+$0x180] =	vst v9  }
0xa2: {  	s9 =	sadd.s32 $0x6, s30;
	s31 =	sadd.s32 $0x800, s29;
	v57 =	vadd.s32 s30, v3;
	v46 =	vadd.s32 s7, v4;
	v12 =	vld.idx.msk [tilespmem:v38+s10+$0x0], $0xffff;
	[tilespmem:s29+$0x200] =	vst v39  }
0xa3: {  	v48 =	vadd.s32 s9, v4;
	v58 =	vand.u32 $0xFFFFFFF8, v57;
	[tilespmem:s31+$0xFFFFC000] =	vst v6;
	v47 =	vld.idx.msk [tilespmem:v40+s10+$0x0], $0xffff  }
0xa4: {  	v10 =	vor.u32 v1, v58;
	v49 =	vld.idx.msk [tilespmem:v42+s10+$0x0], $0xffff;
	[tilespmem:s29+$0x280] =	vst v41  }
0xa5: {  	v50 =	vadd.s32 s0, v3;
	v51 =	vld.idx.msk [tilespmem:v44+s10+$0x0], $0xffff;
	[tilespmem:s29+$0x300] =	vst v43  }
0xa6: {  	v52 =	vadd.s32 s1, v3;
	v7 =	vld.idx.msk [tilespmem:v45+s10+$0x0], $0xffff;
	[tilespmem:s29+$0x0] =	vst v13  }
0xa7: {  	v53 =	vadd.s32 s4, v3;
	v8 =	vld.idx.msk [tilespmem:v46+s10+$0x0], $0xffff;
	[tilespmem:s31+$0xFFFFC380] =	vst v12  }
0xa8: {  	v54 =	vadd.s32 s5, v3;
	v4 =	vld.idx.msk [tilespmem:v48+s10+$0x0], $0xffff;
	[tilespmem:s31+$0xFFFFC080] =	vst v47  }
0xa9: {  	v55 =	vadd.s32 s6, v3;
	v63 =	vld.idx.msk [tilespmem:v10+s12+$0x0], $0xffff;
	[tilespmem:s31+$0xFFFFC100] =	vst v49  }
0xaa: {  	v56 =	vadd.s32 s7, v3;
	v14 =	vld.idx.msk [tilespmem:v50+s12+$0x0], $0xffff;
	[tilespmem:s31+$0xFFFFC180] =	vst v51  }
0xab: {  	v3 =	vadd.s32 s9, v3;
	[tilespmem:s31+$0xFFFFC200] =	vst v7;
	v5 =	vld.idx.msk [tilespmem:v52+s12+$0x0], $0xffff  }
0xac: {  	[tilespmem:s31+$0xFFFFC280] =	vst v8;
	v59 =	vld.idx.msk [tilespmem:v53+s12+$0x0], $0xffff  }
0xad: {  	[tilespmem:s31+$0xFFFFC300] =	vst v4;
	v60 =	vld.idx.msk [tilespmem:v54+s12+$0x0], $0xffff  }
0xae: {  	v61 =	vld.idx.msk [tilespmem:v55+s12+$0x0], $0xffff;
	[tilespmem:s31+$0x0] =	vst v63  }
0xaf: {  	s28 =	sadd.s32 $0x1, s28;
	v62 =	vld.idx.msk [tilespmem:v56+s12+$0x0], $0xffff;
	[tilespmem:s31+$0x380] =	vst v14  }
0xb0: {  	p0 =	sne.s32 s28, $0x10;
	v3 =	vld.idx.msk [tilespmem:v3+s12+$0x0], $0xffff;
	[tilespmem:s31+$0x80] =	vst v5  }
.Ltmp3:
0xb1: {  	[tilespmem:s31+$0x100] =	vst v59;
	(pc) =	sbr.rel @p0 .LBB2_7-.Ltmp3, $4  }
0xb2: {  	[tilespmem:s31+$0x180] =	vst v60  }
0xb3: {  	[tilespmem:s31+$0x200] =	vst v61  }
0xb4: {  	[tilespmem:s31+$0x280] =	vst v62  }
0xb5: {  	s26 =	sadd.s32 $0x80, s26;
	s25 =	sadd.s32 $0x1, s25;
	[tilespmem:s31+$0x300] =	vst v3  }
0xb6: {  	s21 =	sadd.s32 $0x1, s21  }
0xb7: {  	p0 =	sne.s32 s21, $0x18  }
.Ltmp4:
0xb8: {  	s0 =	sshll.u32 s23, $0xB;
	(pc) =	sbr.rel @p0 .LBB2_2-.Ltmp4, $4  }
0xb9: {  	s0 =	sor.u32 s24, s0  }
0xba: {  	s0 =	sshrl.u32 s0, $0x3  }
0xbb: {  	s0 =	sadd.s32 s2, s0  }
0xbc: {  	[hbm4b:s0+s14] =	stream.strided.scatter [tilespmem:s17], [sflag:$0x2], $0x8000, s15, s14, $0x38;
	[tilespmem:$0x1C530] =	vst v63  }
0xbd: {  	_ =	swait.ge [sflag:s18], $0x8000  }
0xbe: {  	[sflag:s18] =	ssyncset.done $0x0  }
0xbf: {  	[sflag:s18] =	ssyncadd.s32 $0xFFFF8000  }
0xc0: {  	_ =	swait.ge [sflag:s19], $0x8000  }
0xc1: {  	s20 =	sadd.s32 $0x1, s20;
	s0 =	rddreg [dreg:$0x7]  }
0xc2: {  	p0 =	sne.s32 s20, s0  }
.Ltmp5:
0xc3: {  	_ = 	snop;
	(pc) =	sbr.rel @p0 .LBB2_1-.Ltmp5, $3  }
0xc4: {  	_ =	sdelay $0x1  }
0xc5: {  	[sflag:s19] =	ssyncset.done $0x0  }
0xc6: {  	[sflag:s19] =	ssyncadd.s32 $0xFFFF8000  }
0xc7: {  	_ =	sfence.sel $0x180000  }
0xc8: {  	[bflag:$0x0] =	sbarrier.arrive $0xFFFF  }
0xc9: {  	_ =	strace $0x90000047  }
0xca: {  	s0 =	stileid.u32;
	[bflag:$0x2] =	sbarrier.arrive $0xFFFF  }
0xcb: {  	p0 =	sne.s32 s0, $0x0;
	s0 =	rddreg [dreg:$0x2]  }
0xcc: {  	s0 =	sadd.s32 @!p0 $0x100000, s0  }
0xcd: {  	[sflag:s0] =	ssyncadd.tile.s32 @!p0 $0x1;
	_ =	shalt  }
.Lfunc_end2:
_tile_overlayer_lowered:
.L_overlay_start_2:
0xce: {  	(tag) =	ssettag $0x2  }
0xcf: {  	s0 =	rddreg [dreg:$0x0];
	s2 =	stileid.u32  }
0xd0: {  	s1 =	rddreg [dreg:$0x1];
	p0 =	sne.s32 s2, $0x0  }
0xd1: {  	s3 =	rddreg [dreg:$0x2];
	[bflag:$0x3] =	sbarrier.arrive $0xFFFF;
	s2 =	simm.s32 @!p0 $0x1C03  }
0xd2: {  	[timem:s3], [sflag:s2] =	dma.local @!p0 [hbm:s0], s1  }
0xd3: {  	s0 =	simm.s32 @!p0 $0x3  }
0xd4: {  	_ =	swait.ge @!p0 [sflag:s0], s1  }
0xd5: {  	s1 =	ssub.s32 @!p0 $0x0, s1;
	[sflag:s0] =	ssyncset.done @!p0 $0x0  }
0xd6: {  	[sflag:s0] =	ssyncadd.s32 @!p0 s1  }
0xd7: {  	[bflag:$0x3] =	sbarrier.arrive $0xFFFF  }
0xd8: {  	_ =	shalt  }

</sc_bundles>
